<compile_context>
chip_gen: v7x
topology: tpu7x:2x2x1
jax: 0.10.2.dev20260603
libtpu: 0.0.44.dev20260713+nightly
codegen_flags: <defaults>
</compile_context>

<pallas_src>
import functools

import jax
import jax.numpy as jnp
from jax import lax
from jax.experimental import pallas as pl
from jax.experimental.pallas import tpu as pltpu
from jax.experimental.pallas import tpu_sc as plsc

_FEAT_STRIDE = 16.0

_B = 16
_A = 9
_K = 4096
_ELEMS = _K * _A * 4
_NTILES = 24
_CHUNK = _ELEMS // _NTILES
_NVEC = _CHUNK // 16


def _anchor_vals(flat):
    g = lax.shift_right_logical(flat, 9)
    c = lax.bitwise_and(lax.shift_right_logical(flat, 7), 3)
    n = lax.bitwise_or(lax.shift_left(g, 7), lax.bitwise_and(flat, 127))
    k = lax.div(n, 9)
    a = lax.rem(n, 9)
    ri = lax.div(a, 3)
    si = lax.rem(a, 3)
    ws = jnp.where(ri == 0, 23.0, jnp.where(ri == 1, 16.0, 11.0))
    hs = jnp.where(ri == 0, 12.0, jnp.where(ri == 1, 16.0, 22.0))
    sc = jnp.where(si == 0, 8.0, jnp.where(si == 1, 16.0, 32.0))
    hw = 0.5 * (ws * sc - 1.0)
    hh = 0.5 * (hs * sc - 1.0)
    base = jnp.where(c == 0, 7.5 - hw,
                     jnp.where(c == 1, 7.5 - hh,
                               jnp.where(c == 2, 7.5 + hw, 7.5 + hh)))
    x = lax.bitwise_and(k, 63).astype(jnp.float32)
    y = lax.shift_right_logical(k, 6).astype(jnp.float32)
    c_even = lax.bitwise_and(c, 1) == 0
    return base + _FEAT_STRIDE * jnp.where(c_even, x, y)


_ROWS = _CHUNK // 128


@functools.partial(
    pl.kernel,
    mesh=plsc.VectorSubcoreMesh(core_axis_name="c", subcore_axis_name="s"),
    out_type=jax.ShapeDtypeStruct((_B, _ELEMS // 128, 128), jnp.float32),
    scratch_types=[
        pltpu.VMEM((_ROWS, 128), jnp.float32),
        pltpu.SemaphoreType.DMA,
    ],
)
def _anchors_sc(out_hbm, chunk_v, sem):
    tile = lax.axis_index("s") * 2 + lax.axis_index("c")

    @pl.when(tile < _NTILES)
    def _():
        base = tile * _CHUNK
        lane = lax.iota(jnp.int32, 16)

        def fill(q, _):
            r = lax.shift_right_logical(q, 3)
            col = lax.bitwise_and(q, 7) * 16
            chunk_v[r, pl.ds(col, 16)] = _anchor_vals(base + q * 16 + lane)
            return _

        lax.fori_loop(0, _NVEC, fill, None)
        row0 = tile * _ROWS
        for grp in range(0, _B, 4):
            copies = [
                pltpu.async_copy(
                    chunk_v, out_hbm.at[b, pl.ds(row0, _ROWS), :], sem)
                for b in range(grp, grp + 4)
            ]
            for cp in copies:
                cp.wait()


def _fg_body(scores_ref, bbox_ref, fg_ref, bbox_out_ref, sem):
    @pl.when(pl.program_id(0) == 0)
    def _():
        pltpu.make_async_copy(bbox_ref, bbox_out_ref, sem).start()

    fg_ref[...] = scores_ref[...]

    @pl.when(pl.program_id(0) == pl.num_programs(0) - 1)
    def _():
        pltpu.make_async_copy(bbox_ref, bbox_out_ref, sem).wait()


def kernel(scores, bbox_deltas, im_info, cfg_key):
    B = scores.shape[0]
    A = 9
    H, W = scores.shape[2], scores.shape[3]
    K = H * W

    anc = _anchors_sc()

    fg, bbox_out = pl.pallas_call(
        _fg_body,
        grid=(B,),
        in_specs=[
            pl.BlockSpec((1, A, H, W), lambda b: (b, 1, 0, 0)),
            pl.BlockSpec(memory_space=pl.ANY),
        ],
        out_specs=[
            pl.BlockSpec((1, A, H, W), lambda b: (b, 0, 0, 0)),
            pl.BlockSpec(memory_space=pl.ANY),
        ],
        out_shape=[
            jax.ShapeDtypeStruct((B, A, H, W), jnp.float32),
            jax.ShapeDtypeStruct(bbox_deltas.shape, bbox_deltas.dtype),
        ],
        scratch_shapes=[pltpu.SemaphoreType.DMA],
        compiler_params=pltpu.CompilerParams(
            dimension_semantics=("arbitrary",),
        ),
    )(scores, bbox_deltas)

    anchors = (anc.reshape(B, (K * A) // 128, 4, 128)
               .transpose(0, 1, 3, 2)
               .reshape(B, K * A, 4))
    return (fg, bbox_out, im_info, anchors)

# --- scband reference (transcript-rebuilt; emitter-appended) ---
"""Pipeline reference for scband-proposal-layer-60885456388492 (READ-ONLY COPY).

The authoritative reference and input builder live on the scoring server;
editing this copy changes nothing except your own understanding.
"""

import jax, jax.numpy as jnp
import numpy as np

FEAT_STRIDE = 16
SCALES = np.array([8.0, 16.0, 32.0])
RATIOS = np.array([0.5, 1.0, 2.0])


def _whctrs(anchor):
    w = anchor[2] - anchor[0] + 1
    h = anchor[3] - anchor[1] + 1
    x_ctr = anchor[0] + 0.5 * (w - 1)
    y_ctr = anchor[1] + 0.5 * (h - 1)
    return w, h, x_ctr, y_ctr


def _mkanchors(ws, hs, x_ctr, y_ctr):
    ws = ws[:, None]
    hs = hs[:, None]
    return np.hstack((x_ctr - 0.5 * (ws - 1), y_ctr - 0.5 * (hs - 1),
                      x_ctr + 0.5 * (ws - 1), y_ctr + 0.5 * (hs - 1)))


def _ratio_enum(anchor, ratios):
    w, h, x_ctr, y_ctr = _whctrs(anchor)
    size = w * h
    size_ratios = size / ratios
    ws = np.round(np.sqrt(size_ratios))
    hs = np.round(ws * ratios)
    return _mkanchors(ws, hs, x_ctr, y_ctr)


def _scale_enum(anchor, scales):
    w, h, x_ctr, y_ctr = _whctrs(anchor)
    ws = w * scales
    hs = h * scales
    return _mkanchors(ws, hs, x_ctr, y_ctr)


def generate_anchors(base_size=16, ratios=RATIOS, scales=SCALES):
    base_anchor = np.array([1.0, 1.0, base_size, base_size]) - 1
    ratio_anchors = _ratio_enum(base_anchor, np.asarray(ratios, dtype=np.float64))
    anchors = np.vstack([_scale_enum(ratio_anchors[i, :], np.asarray(scales, dtype=np.float64))
                         for i in range(ratio_anchors.shape[0])])
    return anchors


def setup_inputs(seed: int = 0) -> dict:
    key = jax.random.key(seed)
    k1, k2 = jax.random.split(key, 2)
    scores = jax.random.normal(k1, (16, 18, 64, 64), dtype=jnp.float32)
    bbox_deltas = jax.random.normal(k2, (16, 36, 64, 64), dtype=jnp.float32)
    im_info = jnp.ones((16, 3), dtype=jnp.float32)
    return {"scores": scores, "bbox_deltas": bbox_deltas, "im_info": im_info, "cfg_key": 0}


def reference(scores, bbox_deltas, im_info, cfg_key=0):
    anchors_base = jnp.asarray(generate_anchors(base_size=FEAT_STRIDE, ratios=RATIOS, scales=SCALES), dtype=jnp.float32)
    A = anchors_base.shape[0]
    # scores = input[0][:, num_anchors:, :, :]  (foreground objectness slice)
    scores_fg = scores[:, A:, :, :]
    batch_size = bbox_deltas.shape[0]
    feat_height, feat_width = scores_fg.shape[2], scores_fg.shape[3]
    shift_x = jnp.arange(0, feat_width) * FEAT_STRIDE
    shift_y = jnp.arange(0, feat_height) * FEAT_STRIDE
    sx, sy = jnp.meshgrid(shift_x, shift_y)
    shifts = jnp.stack([sx.ravel(), sy.ravel(), sx.ravel(), sy.ravel()], axis=1).astype(jnp.float32)
    K = shifts.shape[0]
    anchors = (anchors_base.reshape(1, A, 4) + shifts.reshape(K, 1, 4)).reshape(1, K * A, 4)
    anchors = jnp.broadcast_to(anchors, (batch_size, K * A, 4))
    return (scores_fg, bbox_deltas, im_info, anchors)

if __name__ == "__main__":
    import jax
    _d = setup_inputs()
    print(jax.jit(kernel)(*tuple(_d.values())))

</pallas_src>

<mosaic_0001>
#map = affine_map<(d0, d1) -> (0, 0, 0)>
module attributes {stable_mosaic.version = 14 : i64} {
  func.func @_anchors_sc(%arg0: i32, %arg1: i32, %arg2: memref<16x1152x128xf32, #tpu.memory_space<hbm>>, %arg3: memref<48x128xf32, #tpu.memory_space<vmem>>, %arg4: memref<!tpu.dma_semaphore, #tpu.memory_space<semaphore_mem>>) attributes {dimension_semantics = [#tpu.dimension_semantics<core_parallel>, #tpu.dimension_semantics<subcore_parallel>], iteration_bounds = array<i64: 2, 16>, scalar_prefetch = 0 : i64, scratch_operands = 2 : i64, tpu.core_type = #tpu.core_type<sc_vector_subcore>, window_params = [{transform_indices = #map}]} {
    %mul3A = arith.constant 2 : i32
    %mul3A_0 = arith.muli %arg1, %mul3A : i32
    %add3A = arith.addi %mul3A_0, %arg0 : i32
    %lt3A = arith.constant 24 : i32
    %lt3A_1 = arith.cmpi slt, %add3A, %lt3A : i32
    %convert_element_type3A = arith.extui %lt3A_1 : i1 to i32
    %cond3A = arith.constant 0 : i32
    %cond3A_2 = arith.cmpi ne, %convert_element_type3A, %cond3A : i32
    scf.if %cond3A_2 {
      %mul3A_3 = arith.constant 6144 : i32
      %mul3A_4 = arith.muli %add3A, %mul3A_3 : i32
      %iota3A = tpu.iota {dimensions = array<i32: 0>} : vector<16xi32>
      %scan3A = arith.constant 0 : i32
      %scan3A_5 = arith.constant 384 : i32
      %scan3A_6 = arith.addi %scan3A, %scan3A_5 : i32
      %scan3A_7 = arith.constant 1 : i32
      scf.for %scan3A_233 = %scan3A to %scan3A_6 step %scan3A_7  : i32 {
        %shift_right_logical3A = arith.constant 3 : i32
        %shift_right_logical3A_234 = arith.shrui %scan3A_233, %shift_right_logical3A : i32
        %and3A = arith.constant 7 : i32
        %and3A_235 = arith.andi %scan3A_233, %and3A : i32
        %mul3A_236 = arith.constant 16 : i32
        %mul3A_237 = arith.muli %and3A_235, %mul3A_236 : i32
        %mul3A_238 = arith.constant 16 : i32
        %mul3A_239 = arith.muli %scan3A_233, %mul3A_238 : i32
        %add3A_240 = arith.addi %mul3A_4, %mul3A_239 : i32
        %add3A_241 = vector.broadcast %add3A_240 : i32 to vector<16xi32>
        %add3A_242 = arith.addi %add3A_241, %iota3A : vector<16xi32>
        %shift_right_logical3A_243 = arith.constant 9 : i32
        %shift_right_logical3A_244 = vector.broadcast %shift_right_logical3A_243 : i32 to vector<16xi32>
        %shift_right_logical3A_245 = arith.shrui %add3A_242, %shift_right_logical3A_244 : vector<16xi32>
        %shift_right_logical3A_246 = arith.constant 7 : i32
        %shift_right_logical3A_247 = vector.broadcast %shift_right_logical3A_246 : i32 to vector<16xi32>
        %shift_right_logical3A_248 = arith.shrui %add3A_242, %shift_right_logical3A_247 : vector<16xi32>
        %and3A_249 = arith.constant 3 : i32
        %and3A_250 = vector.broadcast %and3A_249 : i32 to vector<16xi32>
        %and3A_251 = arith.andi %shift_right_logical3A_248, %and3A_250 : vector<16xi32>
        %shift_left3A = arith.constant 7 : i32
        %shift_left3A_252 = vector.broadcast %shift_left3A : i32 to vector<16xi32>
        %shift_left3A_253 = arith.shli %shift_right_logical3A_245, %shift_left3A_252 : vector<16xi32>
        %and3A_254 = arith.constant 127 : i32
        %and3A_255 = vector.broadcast %and3A_254 : i32 to vector<16xi32>
        %and3A_256 = arith.andi %add3A_242, %and3A_255 : vector<16xi32>
        %or3A = arith.ori %shift_left3A_253, %and3A_256 : vector<16xi32>
        %div3A = arith.constant 9 : i32
        %div3A_257 = vector.broadcast %div3A : i32 to vector<16xi32>
        %div3A_258 = arith.divsi %or3A, %div3A_257 : vector<16xi32>
        %rem3A = arith.constant 9 : i32
        %rem3A_259 = vector.broadcast %rem3A : i32 to vector<16xi32>
        %rem3A_260 = arith.remsi %or3A, %rem3A_259 : vector<16xi32>
        %div3A_261 = arith.constant 3 : i32
        %div3A_262 = vector.broadcast %div3A_261 : i32 to vector<16xi32>
        %div3A_263 = arith.divsi %rem3A_260, %div3A_262 : vector<16xi32>
        %rem3A_264 = arith.constant 3 : i32
        %rem3A_265 = vector.broadcast %rem3A_264 : i32 to vector<16xi32>
        %rem3A_266 = arith.remsi %rem3A_260, %rem3A_265 : vector<16xi32>
        %eq3A = arith.constant 0 : i32
        %eq3A_267 = vector.broadcast %eq3A : i32 to vector<16xi32>
        %eq3A_268 = arith.cmpi eq, %div3A_263, %eq3A_267 : vector<16xi32>
        %eq3A_269 = arith.constant 1 : i32
        %eq3A_270 = vector.broadcast %eq3A_269 : i32 to vector<16xi32>
        %eq3A_271 = arith.cmpi eq, %div3A_263, %eq3A_270 : vector<16xi32>
        %jit3A = arith.constant 1.600000e+01 : f32
        %jit3A_272 = arith.constant 1.100000e+01 : f32
        %broadcast_in_dim3A = vector.broadcast %jit3A : f32 to vector<16xf32>
        %broadcast_in_dim3A_273 = vector.broadcast %jit3A_272 : f32 to vector<16xf32>
        %select_n3A = arith.select %eq3A_271, %broadcast_in_dim3A, %broadcast_in_dim3A_273 : vector<16xi1>, vector<16xf32>
        %jit3A_274 = arith.constant 2.300000e+01 : f32
        %broadcast_in_dim3A_275 = vector.broadcast %jit3A_274 : f32 to vector<16xf32>
        %select_n3A_276 = arith.select %eq3A_268, %broadcast_in_dim3A_275, %select_n3A : vector<16xi1>, vector<16xf32>
        %eq3A_277 = arith.constant 0 : i32
        %eq3A_278 = vector.broadcast %eq3A_277 : i32 to vector<16xi32>
        %eq3A_279 = arith.cmpi eq, %div3A_263, %eq3A_278 : vector<16xi32>
        %eq3A_280 = arith.constant 1 : i32
        %eq3A_281 = vector.broadcast %eq3A_280 : i32 to vector<16xi32>
        %eq3A_282 = arith.cmpi eq, %div3A_263, %eq3A_281 : vector<16xi32>
        %jit3A_283 = arith.constant 1.600000e+01 : f32
        %jit3A_284 = arith.constant 2.200000e+01 : f32
        %broadcast_in_dim3A_285 = vector.broadcast %jit3A_283 : f32 to vector<16xf32>
        %broadcast_in_dim3A_286 = vector.broadcast %jit3A_284 : f32 to vector<16xf32>
        %select_n3A_287 = arith.select %eq3A_282, %broadcast_in_dim3A_285, %broadcast_in_dim3A_286 : vector<16xi1>, vector<16xf32>
        %jit3A_288 = arith.constant 1.200000e+01 : f32
        %broadcast_in_dim3A_289 = vector.broadcast %jit3A_288 : f32 to vector<16xf32>
        %select_n3A_290 = arith.select %eq3A_279, %broadcast_in_dim3A_289, %select_n3A_287 : vector<16xi1>, vector<16xf32>
        %eq3A_291 = arith.constant 0 : i32
        %eq3A_292 = vector.broadcast %eq3A_291 : i32 to vector<16xi32>
        %eq3A_293 = arith.cmpi eq, %rem3A_266, %eq3A_292 : vector<16xi32>
        %eq3A_294 = arith.constant 1 : i32
        %eq3A_295 = vector.broadcast %eq3A_294 : i32 to vector<16xi32>
        %eq3A_296 = arith.cmpi eq, %rem3A_266, %eq3A_295 : vector<16xi32>
        %jit3A_297 = arith.constant 1.600000e+01 : f32
        %jit3A_298 = arith.constant 3.200000e+01 : f32
        %broadcast_in_dim3A_299 = vector.broadcast %jit3A_297 : f32 to vector<16xf32>
        %broadcast_in_dim3A_300 = vector.broadcast %jit3A_298 : f32 to vector<16xf32>
        %select_n3A_301 = arith.select %eq3A_296, %broadcast_in_dim3A_299, %broadcast_in_dim3A_300 : vector<16xi1>, vector<16xf32>
        %jit3A_302 = arith.constant 8.000000e+00 : f32
        %broadcast_in_dim3A_303 = vector.broadcast %jit3A_302 : f32 to vector<16xf32>
        %select_n3A_304 = arith.select %eq3A_293, %broadcast_in_dim3A_303, %select_n3A_301 : vector<16xi1>, vector<16xf32>
        %mul3A_305 = arith.mulf %select_n3A_276, %select_n3A_304 : vector<16xf32>
        %sub3A = arith.constant 1.000000e+00 : f32
        %sub3A_306 = vector.broadcast %sub3A : f32 to vector<16xf32>
        %sub3A_307 = arith.subf %mul3A_305, %sub3A_306 : vector<16xf32>
        %mul3A_308 = arith.constant 5.000000e-01 : f32
        %mul3A_309 = vector.broadcast %mul3A_308 : f32 to vector<16xf32>
        %mul3A_310 = arith.mulf %mul3A_309, %sub3A_307 : vector<16xf32>
        %mul3A_311 = arith.mulf %select_n3A_290, %select_n3A_304 : vector<16xf32>
        %sub3A_312 = arith.constant 1.000000e+00 : f32
        %sub3A_313 = vector.broadcast %sub3A_312 : f32 to vector<16xf32>
        %sub3A_314 = arith.subf %mul3A_311, %sub3A_313 : vector<16xf32>
        %mul3A_315 = arith.constant 5.000000e-01 : f32
        %mul3A_316 = vector.broadcast %mul3A_315 : f32 to vector<16xf32>
        %mul3A_317 = arith.mulf %mul3A_316, %sub3A_314 : vector<16xf32>
        %eq3A_318 = arith.constant 0 : i32
        %eq3A_319 = vector.broadcast %eq3A_318 : i32 to vector<16xi32>
        %eq3A_320 = arith.cmpi eq, %and3A_251, %eq3A_319 : vector<16xi32>
        %sub3A_321 = arith.constant 7.500000e+00 : f32
        %sub3A_322 = vector.broadcast %sub3A_321 : f32 to vector<16xf32>
        %sub3A_323 = arith.subf %sub3A_322, %mul3A_310 : vector<16xf32>
        %eq3A_324 = arith.constant 1 : i32
        %eq3A_325 = vector.broadcast %eq3A_324 : i32 to vector<16xi32>
        %eq3A_326 = arith.cmpi eq, %and3A_251, %eq3A_325 : vector<16xi32>
        %sub3A_327 = arith.constant 7.500000e+00 : f32
        %sub3A_328 = vector.broadcast %sub3A_327 : f32 to vector<16xf32>
        %sub3A_329 = arith.subf %sub3A_328, %mul3A_317 : vector<16xf32>
        %eq3A_330 = arith.constant 2 : i32
        %eq3A_331 = vector.broadcast %eq3A_330 : i32 to vector<16xi32>
        %eq3A_332 = arith.cmpi eq, %and3A_251, %eq3A_331 : vector<16xi32>
        %add3A_333 = arith.constant 7.500000e+00 : f32
        %add3A_334 = vector.broadcast %add3A_333 : f32 to vector<16xf32>
        %add3A_335 = arith.addf %add3A_334, %mul3A_310 : vector<16xf32>
        %add3A_336 = arith.constant 7.500000e+00 : f32
        %add3A_337 = vector.broadcast %add3A_336 : f32 to vector<16xf32>
        %add3A_338 = arith.addf %add3A_337, %mul3A_317 : vector<16xf32>
        %select_n3A_339 = arith.select %eq3A_332, %add3A_335, %add3A_338 : vector<16xi1>, vector<16xf32>
        %select_n3A_340 = arith.select %eq3A_326, %sub3A_329, %select_n3A_339 : vector<16xi1>, vector<16xf32>
        %select_n3A_341 = arith.select %eq3A_320, %sub3A_323, %select_n3A_340 : vector<16xi1>, vector<16xf32>
        %and3A_342 = arith.constant 63 : i32
        %and3A_343 = vector.broadcast %and3A_342 : i32 to vector<16xi32>
        %and3A_344 = arith.andi %div3A_258, %and3A_343 : vector<16xi32>
        %convert_element_type3A_345 = arith.sitofp %and3A_344 : vector<16xi32> to vector<16xf32>
        %shift_right_logical3A_346 = arith.constant 6 : i32
        %shift_right_logical3A_347 = vector.broadcast %shift_right_logical3A_346 : i32 to vector<16xi32>
        %shift_right_logical3A_348 = arith.shrui %div3A_258, %shift_right_logical3A_347 : vector<16xi32>
        %convert_element_type3A_349 = arith.sitofp %shift_right_logical3A_348 : vector<16xi32> to vector<16xf32>
        %and3A_350 = arith.constant 1 : i32
        %and3A_351 = vector.broadcast %and3A_350 : i32 to vector<16xi32>
        %and3A_352 = arith.andi %and3A_251, %and3A_351 : vector<16xi32>
        %eq3A_353 = arith.constant 0 : i32
        %eq3A_354 = vector.broadcast %eq3A_353 : i32 to vector<16xi32>
        %eq3A_355 = arith.cmpi eq, %and3A_352, %eq3A_354 : vector<16xi32>
        %select_n3A_356 = arith.select %eq3A_355, %convert_element_type3A_345, %convert_element_type3A_349 : vector<16xi1>, vector<16xf32>
        %mul3A_357 = arith.constant 1.600000e+01 : f32
        %mul3A_358 = vector.broadcast %mul3A_357 : f32 to vector<16xf32>
        %mul3A_359 = arith.mulf %mul3A_358, %select_n3A_356 : vector<16xf32>
        %add3A_360 = arith.addf %select_n3A_341, %mul3A_359 : vector<16xf32>
        %swap3A = arith.index_cast %shift_right_logical3A_234 : i32 to index
        %swap3A_361 = arith.index_cast %mul3A_237 : i32 to index
        %swap3A_362 = tpu.vector_load %arg3[%swap3A, %swap3A_361] {strides = array<i32>} : memref<48x128xf32, #tpu.memory_space<vmem>>, vector<1x16xf32>,
        %swap3A_363 = vector.shape_cast %swap3A_362 : vector<1x16xf32> to vector<16xf32>
        %swap3A_364 = vector.shape_cast %add3A_360 : vector<16xf32> to vector<1x16xf32>
        tpu.vector_store %arg3[%swap3A, %swap3A_361], %swap3A_364 {strides = array<i32>} : memref<48x128xf32, #tpu.memory_space<vmem>>, vector<1x16xf32>,
      }
      %scan3A_8 = arith.constant 384 : i32
      %mul3A_9 = arith.constant 48 : i32
      %mul3A_10 = arith.muli %add3A, %mul3A_9 : i32
      %dma_start3A = arith.constant 0 : i32
      %dma_start3A_11 = arith.constant 0 : i32
      %dma_start3A_12 = tpu.memref_slice %arg2[%dma_start3A, %mul3A_10, %dma_start3A_11] : memref<16x1152x128xf32, #tpu.memory_space<hbm>> -> memref<1x48x128xf32, #tpu.memory_space<hbm>>
      %dma_start3A_13 = tpu.memref_squeeze %dma_start3A_12 : memref<1x48x128xf32, #tpu.memory_space<hbm>> -> memref<48x128xf32, #tpu.memory_space<hbm>>
      %dma_start3A_14 = arith.constant 0 : i32
      %dma_start3A_15 = tpu.memref_slice %arg2[%dma_start3A, %mul3A_10, %dma_start3A_14] : memref<16x1152x128xf32, #tpu.memory_space<hbm>> -> memref<1x48x128xf32, #tpu.memory_space<hbm>>
      %dma_start3A_16 = tpu.memref_squeeze %dma_start3A_15 : memref<1x48x128xf32, #tpu.memory_space<hbm>> -> memref<48x128xf32, #tpu.memory_space<hbm>>
      tpu.enqueue_dma source(%arg3 : memref<48x128xf32, #tpu.memory_space<vmem>>) target(%dma_start3A_16 : memref<48x128xf32, #tpu.memory_space<hbm>>) target_semaphore(%arg4 : memref<!tpu.dma_semaphore, #tpu.memory_space<semaphore_mem>>)
      %dma_start3A_17 = arith.constant 1 : i32
      %dma_start3A_18 = arith.constant 0 : i32
      %dma_start3A_19 = tpu.memref_slice %arg2[%dma_start3A_17, %mul3A_10, %dma_start3A_18] : memref<16x1152x128xf32, #tpu.memory_space<hbm>> -> memref<1x48x128xf32, #tpu.memory_space<hbm>>
      %dma_start3A_20 = tpu.memref_squeeze %dma_start3A_19 : memref<1x48x128xf32, #tpu.memory_space<hbm>> -> memref<48x128xf32, #tpu.memory_space<hbm>>
      %dma_start3A_21 = arith.constant 0 : i32
      %dma_start3A_22 = tpu.memref_slice %arg2[%dma_start3A_17, %mul3A_10, %dma_start3A_21] : memref<16x1152x128xf32, #tpu.memory_space<hbm>> -> memref<1x48x128xf32, #tpu.memory_space<hbm>>
      %dma_start3A_23 = tpu.memref_squeeze %dma_start3A_22 : memref<1x48x128xf32, #tpu.memory_space<hbm>> -> memref<48x128xf32, #tpu.memory_space<hbm>>
      tpu.enqueue_dma source(%arg3 : memref<48x128xf32, #tpu.memory_space<vmem>>) target(%dma_start3A_23 : memref<48x128xf32, #tpu.memory_space<hbm>>) target_semaphore(%arg4 : memref<!tpu.dma_semaphore, #tpu.memory_space<semaphore_mem>>)
      %dma_start3A_24 = arith.constant 2 : i32
      %dma_start3A_25 = arith.constant 0 : i32
      %dma_start3A_26 = tpu.memref_slice %arg2[%dma_start3A_24, %mul3A_10, %dma_start3A_25] : memref<16x1152x128xf32, #tpu.memory_space<hbm>> -> memref<1x48x128xf32, #tpu.memory_space<hbm>>
      %dma_start3A_27 = tpu.memref_squeeze %dma_start3A_26 : memref<1x48x128xf32, #tpu.memory_space<hbm>> -> memref<48x128xf32, #tpu.memory_space<hbm>>
      %dma_start3A_28 = arith.constant 0 : i32
      %dma_start3A_29 = tpu.memref_slice %arg2[%dma_start3A_24, %mul3A_10, %dma_start3A_28] : memref<16x1152x128xf32, #tpu.memory_space<hbm>> -> memref<1x48x128xf32, #tpu.memory_space<hbm>>
      %dma_start3A_30 = tpu.memref_squeeze %dma_start3A_29 : memref<1x48x128xf32, #tpu.memory_space<hbm>> -> memref<48x128xf32, #tpu.memory_space<hbm>>
      tpu.enqueue_dma source(%arg3 : memref<48x128xf32, #tpu.memory_space<vmem>>) target(%dma_start3A_30 : memref<48x128xf32, #tpu.memory_space<hbm>>) target_semaphore(%arg4 : memref<!tpu.dma_semaphore, #tpu.memory_space<semaphore_mem>>)
      %dma_start3A_31 = arith.constant 3 : i32
      %dma_start3A_32 = arith.constant 0 : i32
      %dma_start3A_33 = tpu.memref_slice %arg2[%dma_start3A_31, %mul3A_10, %dma_start3A_32] : memref<16x1152x128xf32, #tpu.memory_space<hbm>> -> memref<1x48x128xf32, #tpu.memory_space<hbm>>
      %dma_start3A_34 = tpu.memref_squeeze %dma_start3A_33 : memref<1x48x128xf32, #tpu.memory_space<hbm>> -> memref<48x128xf32, #tpu.memory_space<hbm>>
      %dma_start3A_35 = arith.constant 0 : i32
      %dma_start3A_36 = tpu.memref_slice %arg2[%dma_start3A_31, %mul3A_10, %dma_start3A_35] : memref<16x1152x128xf32, #tpu.memory_space<hbm>> -> memref<1x48x128xf32, #tpu.memory_space<hbm>>
      %dma_start3A_37 = tpu.memref_squeeze %dma_start3A_36 : memref<1x48x128xf32, #tpu.memory_space<hbm>> -> memref<48x128xf32, #tpu.memory_space<hbm>>
      tpu.enqueue_dma source(%arg3 : memref<48x128xf32, #tpu.memory_space<vmem>>) target(%dma_start3A_37 : memref<48x128xf32, #tpu.memory_space<hbm>>) target_semaphore(%arg4 : memref<!tpu.dma_semaphore, #tpu.memory_space<semaphore_mem>>)
      %dma_wait3A = arith.constant 0 : i32
      %dma_wait3A_38 = arith.constant 0 : i32
      %dma_wait3A_39 = tpu.memref_slice %arg2[%dma_wait3A, %mul3A_10, %dma_wait3A_38] : memref<16x1152x128xf32, #tpu.memory_space<hbm>> -> memref<1x48x128xf32, #tpu.memory_space<hbm>>
      %dma_wait3A_40 = tpu.memref_squeeze %dma_wait3A_39 : memref<1x48x128xf32, #tpu.memory_space<hbm>> -> memref<48x128xf32, #tpu.memory_space<hbm>>
      %dma_wait3A_41 = arith.constant 0 : i32
      %dma_wait3A_42 = tpu.memref_slice %arg2[%dma_wait3A, %mul3A_10, %dma_wait3A_41] : memref<16x1152x128xf32, #tpu.memory_space<hbm>> -> memref<1x48x128xf32, #tpu.memory_space<hbm>>
      %dma_wait3A_43 = tpu.memref_squeeze %dma_wait3A_42 : memref<1x48x128xf32, #tpu.memory_space<hbm>> -> memref<48x128xf32, #tpu.memory_space<hbm>>
      tpu.wait_dma2 semaphore(%arg4 : memref<!tpu.dma_semaphore, #tpu.memory_space<semaphore_mem>>) src(%arg3 : memref<48x128xf32, #tpu.memory_space<vmem>>) dst(%dma_wait3A_43 : memref<48x128xf32, #tpu.memory_space<hbm>>)
      %dma_wait3A_44 = arith.constant 1 : i32
      %dma_wait3A_45 = arith.constant 0 : i32
      %dma_wait3A_46 = tpu.memref_slice %arg2[%dma_wait3A_44, %mul3A_10, %dma_wait3A_45] : memref<16x1152x128xf32, #tpu.memory_space<hbm>> -> memref<1x48x128xf32, #tpu.memory_space<hbm>>
      %dma_wait3A_47 = tpu.memref_squeeze %dma_wait3A_46 : memref<1x48x128xf32, #tpu.memory_space<hbm>> -> memref<48x128xf32, #tpu.memory_space<hbm>>
      %dma_wait3A_48 = arith.constant 0 : i32
      %dma_wait3A_49 = tpu.memref_slice %arg2[%dma_wait3A_44, %mul3A_10, %dma_wait3A_48] : memref<16x1152x128xf32, #tpu.memory_space<hbm>> -> memref<1x48x128xf32, #tpu.memory_space<hbm>>
      %dma_wait3A_50 = tpu.memref_squeeze %dma_wait3A_49 : memref<1x48x128xf32, #tpu.memory_space<hbm>> -> memref<48x128xf32, #tpu.memory_space<hbm>>
      tpu.wait_dma2 semaphore(%arg4 : memref<!tpu.dma_semaphore, #tpu.memory_space<semaphore_mem>>) src(%arg3 : memref<48x128xf32, #tpu.memory_space<vmem>>) dst(%dma_wait3A_50 : memref<48x128xf32, #tpu.memory_space<hbm>>)
      %dma_wait3A_51 = arith.constant 2 : i32
      %dma_wait3A_52 = arith.constant 0 : i32
      %dma_wait3A_53 = tpu.memref_slice %arg2[%dma_wait3A_51, %mul3A_10, %dma_wait3A_52] : memref<16x1152x128xf32, #tpu.memory_space<hbm>> -> memref<1x48x128xf32, #tpu.memory_space<hbm>>
      %dma_wait3A_54 = tpu.memref_squeeze %dma_wait3A_53 : memref<1x48x128xf32, #tpu.memory_space<hbm>> -> memref<48x128xf32, #tpu.memory_space<hbm>>
      %dma_wait3A_55 = arith.constant 0 : i32
      %dma_wait3A_56 = tpu.memref_slice %arg2[%dma_wait3A_51, %mul3A_10, %dma_wait3A_55] : memref<16x1152x128xf32, #tpu.memory_space<hbm>> -> memref<1x48x128xf32, #tpu.memory_space<hbm>>
      %dma_wait3A_57 = tpu.memref_squeeze %dma_wait3A_56 : memref<1x48x128xf32, #tpu.memory_space<hbm>> -> memref<48x128xf32, #tpu.memory_space<hbm>>
      tpu.wait_dma2 semaphore(%arg4 : memref<!tpu.dma_semaphore, #tpu.memory_space<semaphore_mem>>) src(%arg3 : memref<48x128xf32, #tpu.memory_space<vmem>>) dst(%dma_wait3A_57 : memref<48x128xf32, #tpu.memory_space<hbm>>)
      %dma_wait3A_58 = arith.constant 3 : i32
      %dma_wait3A_59 = arith.constant 0 : i32
      %dma_wait3A_60 = tpu.memref_slice %arg2[%dma_wait3A_58, %mul3A_10, %dma_wait3A_59] : memref<16x1152x128xf32, #tpu.memory_space<hbm>> -> memref<1x48x128xf32, #tpu.memory_space<hbm>>
      %dma_wait3A_61 = tpu.memref_squeeze %dma_wait3A_60 : memref<1x48x128xf32, #tpu.memory_space<hbm>> -> memref<48x128xf32, #tpu.memory_space<hbm>>
      %dma_wait3A_62 = arith.constant 0 : i32
      %dma_wait3A_63 = tpu.memref_slice %arg2[%dma_wait3A_58, %mul3A_10, %dma_wait3A_62] : memref<16x1152x128xf32, #tpu.memory_space<hbm>> -> memref<1x48x128xf32, #tpu.memory_space<hbm>>
      %dma_wait3A_64 = tpu.memref_squeeze %dma_wait3A_63 : memref<1x48x128xf32, #tpu.memory_space<hbm>> -> memref<48x128xf32, #tpu.memory_space<hbm>>
      tpu.wait_dma2 semaphore(%arg4 : memref<!tpu.dma_semaphore, #tpu.memory_space<semaphore_mem>>) src(%arg3 : memref<48x128xf32, #tpu.memory_space<vmem>>) dst(%dma_wait3A_64 : memref<48x128xf32, #tpu.memory_space<hbm>>)
      %dma_start3A_65 = arith.constant 4 : i32
      %dma_start3A_66 = arith.constant 0 : i32
      %dma_start3A_67 = tpu.memref_slice %arg2[%dma_start3A_65, %mul3A_10, %dma_start3A_66] : memref<16x1152x128xf32, #tpu.memory_space<hbm>> -> memref<1x48x128xf32, #tpu.memory_space<hbm>>
      %dma_start3A_68 = tpu.memref_squeeze %dma_start3A_67 : memref<1x48x128xf32, #tpu.memory_space<hbm>> -> memref<48x128xf32, #tpu.memory_space<hbm>>
      %dma_start3A_69 = arith.constant 0 : i32
      %dma_start3A_70 = tpu.memref_slice %arg2[%dma_start3A_65, %mul3A_10, %dma_start3A_69] : memref<16x1152x128xf32, #tpu.memory_space<hbm>> -> memref<1x48x128xf32, #tpu.memory_space<hbm>>
      %dma_start3A_71 = tpu.memref_squeeze %dma_start3A_70 : memref<1x48x128xf32, #tpu.memory_space<hbm>> -> memref<48x128xf32, #tpu.memory_space<hbm>>
      tpu.enqueue_dma source(%arg3 : memref<48x128xf32, #tpu.memory_space<vmem>>) target(%dma_start3A_71 : memref<48x128xf32, #tpu.memory_space<hbm>>) target_semaphore(%arg4 : memref<!tpu.dma_semaphore, #tpu.memory_space<semaphore_mem>>)
      %dma_start3A_72 = arith.constant 5 : i32
      %dma_start3A_73 = arith.constant 0 : i32
      %dma_start3A_74 = tpu.memref_slice %arg2[%dma_start3A_72, %mul3A_10, %dma_start3A_73] : memref<16x1152x128xf32, #tpu.memory_space<hbm>> -> memref<1x48x128xf32, #tpu.memory_space<hbm>>
      %dma_start3A_75 = tpu.memref_squeeze %dma_start3A_74 : memref<1x48x128xf32, #tpu.memory_space<hbm>> -> memref<48x128xf32, #tpu.memory_space<hbm>>
      %dma_start3A_76 = arith.constant 0 : i32
      %dma_start3A_77 = tpu.memref_slice %arg2[%dma_start3A_72, %mul3A_10, %dma_start3A_76] : memref<16x1152x128xf32, #tpu.memory_space<hbm>> -> memref<1x48x128xf32, #tpu.memory_space<hbm>>
      %dma_start3A_78 = tpu.memref_squeeze %dma_start3A_77 : memref<1x48x128xf32, #tpu.memory_space<hbm>> -> memref<48x128xf32, #tpu.memory_space<hbm>>
      tpu.enqueue_dma source(%arg3 : memref<48x128xf32, #tpu.memory_space<vmem>>) target(%dma_start3A_78 : memref<48x128xf32, #tpu.memory_space<hbm>>) target_semaphore(%arg4 : memref<!tpu.dma_semaphore, #tpu.memory_space<semaphore_mem>>)
      %dma_start3A_79 = arith.constant 6 : i32
      %dma_start3A_80 = arith.constant 0 : i32
      %dma_start3A_81 = tpu.memref_slice %arg2[%dma_start3A_79, %mul3A_10, %dma_start3A_80] : memref<16x1152x128xf32, #tpu.memory_space<hbm>> -> memref<1x48x128xf32, #tpu.memory_space<hbm>>
      %dma_start3A_82 = tpu.memref_squeeze %dma_start3A_81 : memref<1x48x128xf32, #tpu.memory_space<hbm>> -> memref<48x128xf32, #tpu.memory_space<hbm>>
      %dma_start3A_83 = arith.constant 0 : i32
      %dma_start3A_84 = tpu.memref_slice %arg2[%dma_start3A_79, %mul3A_10, %dma_start3A_83] : memref<16x1152x128xf32, #tpu.memory_space<hbm>> -> memref<1x48x128xf32, #tpu.memory_space<hbm>>
      %dma_start3A_85 = tpu.memref_squeeze %dma_start3A_84 : memref<1x48x128xf32, #tpu.memory_space<hbm>> -> memref<48x128xf32, #tpu.memory_space<hbm>>
      tpu.enqueue_dma source(%arg3 : memref<48x128xf32, #tpu.memory_space<vmem>>) target(%dma_start3A_85 : memref<48x128xf32, #tpu.memory_space<hbm>>) target_semaphore(%arg4 : memref<!tpu.dma_semaphore, #tpu.memory_space<semaphore_mem>>)
      %dma_start3A_86 = arith.constant 7 : i32
      %dma_start3A_87 = arith.constant 0 : i32
      %dma_start3A_88 = tpu.memref_slice %arg2[%dma_start3A_86, %mul3A_10, %dma_start3A_87] : memref<16x1152x128xf32, #tpu.memory_space<hbm>> -> memref<1x48x128xf32, #tpu.memory_space<hbm>>
      %dma_start3A_89 = tpu.memref_squeeze %dma_start3A_88 : memref<1x48x128xf32, #tpu.memory_space<hbm>> -> memref<48x128xf32, #tpu.memory_space<hbm>>
      %dma_start3A_90 = arith.constant 0 : i32
      %dma_start3A_91 = tpu.memref_slice %arg2[%dma_start3A_86, %mul3A_10, %dma_start3A_90] : memref<16x1152x128xf32, #tpu.memory_space<hbm>> -> memref<1x48x128xf32, #tpu.memory_space<hbm>>
      %dma_start3A_92 = tpu.memref_squeeze %dma_start3A_91 : memref<1x48x128xf32, #tpu.memory_space<hbm>> -> memref<48x128xf32, #tpu.memory_space<hbm>>
      tpu.enqueue_dma source(%arg3 : memref<48x128xf32, #tpu.memory_space<vmem>>) target(%dma_start3A_92 : memref<48x128xf32, #tpu.memory_space<hbm>>) target_semaphore(%arg4 : memref<!tpu.dma_semaphore, #tpu.memory_space<semaphore_mem>>)
      %dma_wait3A_93 = arith.constant 4 : i32
      %dma_wait3A_94 = arith.constant 0 : i32
      %dma_wait3A_95 = tpu.memref_slice %arg2[%dma_wait3A_93, %mul3A_10, %dma_wait3A_94] : memref<16x1152x128xf32, #tpu.memory_space<hbm>> -> memref<1x48x128xf32, #tpu.memory_space<hbm>>
      %dma_wait3A_96 = tpu.memref_squeeze %dma_wait3A_95 : memref<1x48x128xf32, #tpu.memory_space<hbm>> -> memref<48x128xf32, #tpu.memory_space<hbm>>
      %dma_wait3A_97 = arith.constant 0 : i32
      %dma_wait3A_98 = tpu.memref_slice %arg2[%dma_wait3A_93, %mul3A_10, %dma_wait3A_97] : memref<16x1152x128xf32, #tpu.memory_space<hbm>> -> memref<1x48x128xf32, #tpu.memory_space<hbm>>
      %dma_wait3A_99 = tpu.memref_squeeze %dma_wait3A_98 : memref<1x48x128xf32, #tpu.memory_space<hbm>> -> memref<48x128xf32, #tpu.memory_space<hbm>>
      tpu.wait_dma2 semaphore(%arg4 : memref<!tpu.dma_semaphore, #tpu.memory_space<semaphore_mem>>) src(%arg3 : memref<48x128xf32, #tpu.memory_space<vmem>>) dst(%dma_wait3A_99 : memref<48x128xf32, #tpu.memory_space<hbm>>)
      %dma_wait3A_100 = arith.constant 5 : i32
      %dma_wait3A_101 = arith.constant 0 : i32
      %dma_wait3A_102 = tpu.memref_slice %arg2[%dma_wait3A_100, %mul3A_10, %dma_wait3A_101] : memref<16x1152x128xf32, #tpu.memory_space<hbm>> -> memref<1x48x128xf32, #tpu.memory_space<hbm>>
      %dma_wait3A_103 = tpu.memref_squeeze %dma_wait3A_102 : memref<1x48x128xf32, #tpu.memory_space<hbm>> -> memref<48x128xf32, #tpu.memory_space<hbm>>
      %dma_wait3A_104 = arith.constant 0 : i32
      %dma_wait3A_105 = tpu.memref_slice %arg2[%dma_wait3A_100, %mul3A_10, %dma_wait3A_104] : memref<16x1152x128xf32, #tpu.memory_space<hbm>> -> memref<1x48x128xf32, #tpu.memory_space<hbm>>
      %dma_wait3A_106 = tpu.memref_squeeze %dma_wait3A_105 : memref<1x48x128xf32, #tpu.memory_space<hbm>> -> memref<48x128xf32, #tpu.memory_space<hbm>>
      tpu.wait_dma2 semaphore(%arg4 : memref<!tpu.dma_semaphore, #tpu.memory_space<semaphore_mem>>) src(%arg3 : memref<48x128xf32, #tpu.memory_space<vmem>>) dst(%dma_wait3A_106 : memref<48x128xf32, #tpu.memory_space<hbm>>)
      %dma_wait3A_107 = arith.constant 6 : i32
      %dma_wait3A_108 = arith.constant 0 : i32
      %dma_wait3A_109 = tpu.memref_slice %arg2[%dma_wait3A_107, %mul3A_10, %dma_wait3A_108] : memref<16x1152x128xf32, #tpu.memory_space<hbm>> -> memref<1x48x128xf32, #tpu.memory_space<hbm>>
      %dma_wait3A_110 = tpu.memref_squeeze %dma_wait3A_109 : memref<1x48x128xf32, #tpu.memory_space<hbm>> -> memref<48x128xf32, #tpu.memory_space<hbm>>
      %dma_wait3A_111 = arith.constant 0 : i32
      %dma_wait3A_112 = tpu.memref_slice %arg2[%dma_wait3A_107, %mul3A_10, %dma_wait3A_111] : memref<16x1152x128xf32, #tpu.memory_space<hbm>> -> memref<1x48x128xf32, #tpu.memory_space<hbm>>
      %dma_wait3A_113 = tpu.memref_squeeze %dma_wait3A_112 : memref<1x48x128xf32, #tpu.memory_space<hbm>> -> memref<48x128xf32, #tpu.memory_space<hbm>>
      tpu.wait_dma2 semaphore(%arg4 : memref<!tpu.dma_semaphore, #tpu.memory_space<semaphore_mem>>) src(%arg3 : memref<48x128xf32, #tpu.memory_space<vmem>>) dst(%dma_wait3A_113 : memref<48x128xf32, #tpu.memory_space<hbm>>)
      %dma_wait3A_114 = arith.constant 7 : i32
      %dma_wait3A_115 = arith.constant 0 : i32
      %dma_wait3A_116 = tpu.memref_slice %arg2[%dma_wait3A_114, %mul3A_10, %dma_wait3A_115] : memref<16x1152x128xf32, #tpu.memory_space<hbm>> -> memref<1x48x128xf32, #tpu.memory_space<hbm>>
      %dma_wait3A_117 = tpu.memref_squeeze %dma_wait3A_116 : memref<1x48x128xf32, #tpu.memory_space<hbm>> -> memref<48x128xf32, #tpu.memory_space<hbm>>
      %dma_wait3A_118 = arith.constant 0 : i32
      %dma_wait3A_119 = tpu.memref_slice %arg2[%dma_wait3A_114, %mul3A_10, %dma_wait3A_118] : memref<16x1152x128xf32, #tpu.memory_space<hbm>> -> memref<1x48x128xf32, #tpu.memory_space<hbm>>
      %dma_wait3A_120 = tpu.memref_squeeze %dma_wait3A_119 : memref<1x48x128xf32, #tpu.memory_space<hbm>> -> memref<48x128xf32, #tpu.memory_space<hbm>>
      tpu.wait_dma2 semaphore(%arg4 : memref<!tpu.dma_semaphore, #tpu.memory_space<semaphore_mem>>) src(%arg3 : memref<48x128xf32, #tpu.memory_space<vmem>>) dst(%dma_wait3A_120 : memref<48x128xf32, #tpu.memory_space<hbm>>)
      %dma_start3A_121 = arith.constant 8 : i32
      %dma_start3A_122 = arith.constant 0 : i32
      %dma_start3A_123 = tpu.memref_slice %arg2[%dma_start3A_121, %mul3A_10, %dma_start3A_122] : memref<16x1152x128xf32, #tpu.memory_space<hbm>> -> memref<1x48x128xf32, #tpu.memory_space<hbm>>
      %dma_start3A_124 = tpu.memref_squeeze %dma_start3A_123 : memref<1x48x128xf32, #tpu.memory_space<hbm>> -> memref<48x128xf32, #tpu.memory_space<hbm>>
      %dma_start3A_125 = arith.constant 0 : i32
      %dma_start3A_126 = tpu.memref_slice %arg2[%dma_start3A_121, %mul3A_10, %dma_start3A_125] : memref<16x1152x128xf32, #tpu.memory_space<hbm>> -> memref<1x48x128xf32, #tpu.memory_space<hbm>>
      %dma_start3A_127 = tpu.memref_squeeze %dma_start3A_126 : memref<1x48x128xf32, #tpu.memory_space<hbm>> -> memref<48x128xf32, #tpu.memory_space<hbm>>
      tpu.enqueue_dma source(%arg3 : memref<48x128xf32, #tpu.memory_space<vmem>>) target(%dma_start3A_127 : memref<48x128xf32, #tpu.memory_space<hbm>>) target_semaphore(%arg4 : memref<!tpu.dma_semaphore, #tpu.memory_space<semaphore_mem>>)
      %dma_start3A_128 = arith.constant 9 : i32
      %dma_start3A_129 = arith.constant 0 : i32
      %dma_start3A_130 = tpu.memref_slice %arg2[%dma_start3A_128, %mul3A_10, %dma_start3A_129] : memref<16x1152x128xf32, #tpu.memory_space<hbm>> -> memref<1x48x128xf32, #tpu.memory_space<hbm>>
      %dma_start3A_131 = tpu.memref_squeeze %dma_start3A_130 : memref<1x48x128xf32, #tpu.memory_space<hbm>> -> memref<48x128xf32, #tpu.memory_space<hbm>>
      %dma_start3A_132 = arith.constant 0 : i32
      %dma_start3A_133 = tpu.memref_slice %arg2[%dma_start3A_128, %mul3A_10, %dma_start3A_132] : memref<16x1152x128xf32, #tpu.memory_space<hbm>> -> memref<1x48x128xf32, #tpu.memory_space<hbm>>
      %dma_start3A_134 = tpu.memref_squeeze %dma_start3A_133 : memref<1x48x128xf32, #tpu.memory_space<hbm>> -> memref<48x128xf32, #tpu.memory_space<hbm>>
      tpu.enqueue_dma source(%arg3 : memref<48x128xf32, #tpu.memory_space<vmem>>) target(%dma_start3A_134 : memref<48x128xf32, #tpu.memory_space<hbm>>) target_semaphore(%arg4 : memref<!tpu.dma_semaphore, #tpu.memory_space<semaphore_mem>>)
      %dma_start3A_135 = arith.constant 10 : i32
      %dma_start3A_136 = arith.constant 0 : i32
      %dma_start3A_137 = tpu.memref_slice %arg2[%dma_start3A_135, %mul3A_10, %dma_start3A_136] : memref<16x1152x128xf32, #tpu.memory_space<hbm>> -> memref<1x48x128xf32, #tpu.memory_space<hbm>>
      %dma_start3A_138 = tpu.memref_squeeze %dma_start3A_137 : memref<1x48x128xf32, #tpu.memory_space<hbm>> -> memref<48x128xf32, #tpu.memory_space<hbm>>
      %dma_start3A_139 = arith.constant 0 : i32
      %dma_start3A_140 = tpu.memref_slice %arg2[%dma_start3A_135, %mul3A_10, %dma_start3A_139] : memref<16x1152x128xf32, #tpu.memory_space<hbm>> -> memref<1x48x128xf32, #tpu.memory_space<hbm>>
      %dma_start3A_141 = tpu.memref_squeeze %dma_start3A_140 : memref<1x48x128xf32, #tpu.memory_space<hbm>> -> memref<48x128xf32, #tpu.memory_space<hbm>>
      tpu.enqueue_dma source(%arg3 : memref<48x128xf32, #tpu.memory_space<vmem>>) target(%dma_start3A_141 : memref<48x128xf32, #tpu.memory_space<hbm>>) target_semaphore(%arg4 : memref<!tpu.dma_semaphore, #tpu.memory_space<semaphore_mem>>)
      %dma_start3A_142 = arith.constant 11 : i32
      %dma_start3A_143 = arith.constant 0 : i32
      %dma_start3A_144 = tpu.memref_slice %arg2[%dma_start3A_142, %mul3A_10, %dma_start3A_143] : memref<16x1152x128xf32, #tpu.memory_space<hbm>> -> memref<1x48x128xf32, #tpu.memory_space<hbm>>
      %dma_start3A_145 = tpu.memref_squeeze %dma_start3A_144 : memref<1x48x128xf32, #tpu.memory_space<hbm>> -> memref<48x128xf32, #tpu.memory_space<hbm>>
      %dma_start3A_146 = arith.constant 0 : i32
      %dma_start3A_147 = tpu.memref_slice %arg2[%dma_start3A_142, %mul3A_10, %dma_start3A_146] : memref<16x1152x128xf32, #tpu.memory_space<hbm>> -> memref<1x48x128xf32, #tpu.memory_space<hbm>>
      %dma_start3A_148 = tpu.memref_squeeze %dma_start3A_147 : memref<1x48x128xf32, #tpu.memory_space<hbm>> -> memref<48x128xf32, #tpu.memory_space<hbm>>
      tpu.enqueue_dma source(%arg3 : memref<48x128xf32, #tpu.memory_space<vmem>>) target(%dma_start3A_148 : memref<48x128xf32, #tpu.memory_space<hbm>>) target_semaphore(%arg4 : memref<!tpu.dma_semaphore, #tpu.memory_space<semaphore_mem>>)
      %dma_wait3A_149 = arith.constant 8 : i32
      %dma_wait3A_150 = arith.constant 0 : i32
      %dma_wait3A_151 = tpu.memref_slice %arg2[%dma_wait3A_149, %mul3A_10, %dma_wait3A_150] : memref<16x1152x128xf32, #tpu.memory_space<hbm>> -> memref<1x48x128xf32, #tpu.memory_space<hbm>>
      %dma_wait3A_152 = tpu.memref_squeeze %dma_wait3A_151 : memref<1x48x128xf32, #tpu.memory_space<hbm>> -> memref<48x128xf32, #tpu.memory_space<hbm>>
      %dma_wait3A_153 = arith.constant 0 : i32
      %dma_wait3A_154 = tpu.memref_slice %arg2[%dma_wait3A_149, %mul3A_10, %dma_wait3A_153] : memref<16x1152x128xf32, #tpu.memory_space<hbm>> -> memref<1x48x128xf32, #tpu.memory_space<hbm>>
      %dma_wait3A_155 = tpu.memref_squeeze %dma_wait3A_154 : memref<1x48x128xf32, #tpu.memory_space<hbm>> -> memref<48x128xf32, #tpu.memory_space<hbm>>
      tpu.wait_dma2 semaphore(%arg4 : memref<!tpu.dma_semaphore, #tpu.memory_space<semaphore_mem>>) src(%arg3 : memref<48x128xf32, #tpu.memory_space<vmem>>) dst(%dma_wait3A_155 : memref<48x128xf32, #tpu.memory_space<hbm>>)
      %dma_wait3A_156 = arith.constant 9 : i32
      %dma_wait3A_157 = arith.constant 0 : i32
      %dma_wait3A_158 = tpu.memref_slice %arg2[%dma_wait3A_156, %mul3A_10, %dma_wait3A_157] : memref<16x1152x128xf32, #tpu.memory_space<hbm>> -> memref<1x48x128xf32, #tpu.memory_space<hbm>>
      %dma_wait3A_159 = tpu.memref_squeeze %dma_wait3A_158 : memref<1x48x128xf32, #tpu.memory_space<hbm>> -> memref<48x128xf32, #tpu.memory_space<hbm>>
      %dma_wait3A_160 = arith.constant 0 : i32
      %dma_wait3A_161 = tpu.memref_slice %arg2[%dma_wait3A_156, %mul3A_10, %dma_wait3A_160] : memref<16x1152x128xf32, #tpu.memory_space<hbm>> -> memref<1x48x128xf32, #tpu.memory_space<hbm>>
      %dma_wait3A_162 = tpu.memref_squeeze %dma_wait3A_161 : memref<1x48x128xf32, #tpu.memory_space<hbm>> -> memref<48x128xf32, #tpu.memory_space<hbm>>
      tpu.wait_dma2 semaphore(%arg4 : memref<!tpu.dma_semaphore, #tpu.memory_space<semaphore_mem>>) src(%arg3 : memref<48x128xf32, #tpu.memory_space<vmem>>) dst(%dma_wait3A_162 : memref<48x128xf32, #tpu.memory_space<hbm>>)
      %dma_wait3A_163 = arith.constant 10 : i32
      %dma_wait3A_164 = arith.constant 0 : i32
      %dma_wait3A_165 = tpu.memref_slice %arg2[%dma_wait3A_163, %mul3A_10, %dma_wait3A_164] : memref<16x1152x128xf32, #tpu.memory_space<hbm>> -> memref<1x48x128xf32, #tpu.memory_space<hbm>>
      %dma_wait3A_166 = tpu.memref_squeeze %dma_wait3A_165 : memref<1x48x128xf32, #tpu.memory_space<hbm>> -> memref<48x128xf32, #tpu.memory_space<hbm>>
      %dma_wait3A_167 = arith.constant 0 : i32
      %dma_wait3A_168 = tpu.memref_slice %arg2[%dma_wait3A_163, %mul3A_10, %dma_wait3A_167] : memref<16x1152x128xf32, #tpu.memory_space<hbm>> -> memref<1x48x128xf32, #tpu.memory_space<hbm>>
      %dma_wait3A_169 = tpu.memref_squeeze %dma_wait3A_168 : memref<1x48x128xf32, #tpu.memory_space<hbm>> -> memref<48x128xf32, #tpu.memory_space<hbm>>
      tpu.wait_dma2 semaphore(%arg4 : memref<!tpu.dma_semaphore, #tpu.memory_space<semaphore_mem>>) src(%arg3 : memref<48x128xf32, #tpu.memory_space<vmem>>) dst(%dma_wait3A_169 : memref<48x128xf32, #tpu.memory_space<hbm>>)
      %dma_wait3A_170 = arith.constant 11 : i32
      %dma_wait3A_171 = arith.constant 0 : i32
      %dma_wait3A_172 = tpu.memref_slice %arg2[%dma_wait3A_170, %mul3A_10, %dma_wait3A_171] : memref<16x1152x128xf32, #tpu.memory_space<hbm>> -> memref<1x48x128xf32, #tpu.memory_space<hbm>>
      %dma_wait3A_173 = tpu.memref_squeeze %dma_wait3A_172 : memref<1x48x128xf32, #tpu.memory_space<hbm>> -> memref<48x128xf32, #tpu.memory_space<hbm>>
      %dma_wait3A_174 = arith.constant 0 : i32
      %dma_wait3A_175 = tpu.memref_slice %arg2[%dma_wait3A_170, %mul3A_10, %dma_wait3A_174] : memref<16x1152x128xf32, #tpu.memory_space<hbm>> -> memref<1x48x128xf32, #tpu.memory_space<hbm>>
      %dma_wait3A_176 = tpu.memref_squeeze %dma_wait3A_175 : memref<1x48x128xf32, #tpu.memory_space<hbm>> -> memref<48x128xf32, #tpu.memory_space<hbm>>
      tpu.wait_dma2 semaphore(%arg4 : memref<!tpu.dma_semaphore, #tpu.memory_space<semaphore_mem>>) src(%arg3 : memref<48x128xf32, #tpu.memory_space<vmem>>) dst(%dma_wait3A_176 : memref<48x128xf32, #tpu.memory_space<hbm>>)
      %dma_start3A_177 = arith.constant 12 : i32
      %dma_start3A_178 = arith.constant 0 : i32
      %dma_start3A_179 = tpu.memref_slice %arg2[%dma_start3A_177, %mul3A_10, %dma_start3A_178] : memref<16x1152x128xf32, #tpu.memory_space<hbm>> -> memref<1x48x128xf32, #tpu.memory_space<hbm>>
      %dma_start3A_180 = tpu.memref_squeeze %dma_start3A_179 : memref<1x48x128xf32, #tpu.memory_space<hbm>> -> memref<48x128xf32, #tpu.memory_space<hbm>>
      %dma_start3A_181 = arith.constant 0 : i32
      %dma_start3A_182 = tpu.memref_slice %arg2[%dma_start3A_177, %mul3A_10, %dma_start3A_181] : memref<16x1152x128xf32, #tpu.memory_space<hbm>> -> memref<1x48x128xf32, #tpu.memory_space<hbm>>
      %dma_start3A_183 = tpu.memref_squeeze %dma_start3A_182 : memref<1x48x128xf32, #tpu.memory_space<hbm>> -> memref<48x128xf32, #tpu.memory_space<hbm>>
      tpu.enqueue_dma source(%arg3 : memref<48x128xf32, #tpu.memory_space<vmem>>) target(%dma_start3A_183 : memref<48x128xf32, #tpu.memory_space<hbm>>) target_semaphore(%arg4 : memref<!tpu.dma_semaphore, #tpu.memory_space<semaphore_mem>>)
      %dma_start3A_184 = arith.constant 13 : i32
      %dma_start3A_185 = arith.constant 0 : i32
      %dma_start3A_186 = tpu.memref_slice %arg2[%dma_start3A_184, %mul3A_10, %dma_start3A_185] : memref<16x1152x128xf32, #tpu.memory_space<hbm>> -> memref<1x48x128xf32, #tpu.memory_space<hbm>>
      %dma_start3A_187 = tpu.memref_squeeze %dma_start3A_186 : memref<1x48x128xf32, #tpu.memory_space<hbm>> -> memref<48x128xf32, #tpu.memory_space<hbm>>
      %dma_start3A_188 = arith.constant 0 : i32
      %dma_start3A_189 = tpu.memref_slice %arg2[%dma_start3A_184, %mul3A_10, %dma_start3A_188] : memref<16x1152x128xf32, #tpu.memory_space<hbm>> -> memref<1x48x128xf32, #tpu.memory_space<hbm>>
      %dma_start3A_190 = tpu.memref_squeeze %dma_start3A_189 : memref<1x48x128xf32, #tpu.memory_space<hbm>> -> memref<48x128xf32, #tpu.memory_space<hbm>>
      tpu.enqueue_dma source(%arg3 : memref<48x128xf32, #tpu.memory_space<vmem>>) target(%dma_start3A_190 : memref<48x128xf32, #tpu.memory_space<hbm>>) target_semaphore(%arg4 : memref<!tpu.dma_semaphore, #tpu.memory_space<semaphore_mem>>)
      %dma_start3A_191 = arith.constant 14 : i32
      %dma_start3A_192 = arith.constant 0 : i32
      %dma_start3A_193 = tpu.memref_slice %arg2[%dma_start3A_191, %mul3A_10, %dma_start3A_192] : memref<16x1152x128xf32, #tpu.memory_space<hbm>> -> memref<1x48x128xf32, #tpu.memory_space<hbm>>
      %dma_start3A_194 = tpu.memref_squeeze %dma_start3A_193 : memref<1x48x128xf32, #tpu.memory_space<hbm>> -> memref<48x128xf32, #tpu.memory_space<hbm>>
      %dma_start3A_195 = arith.constant 0 : i32
      %dma_start3A_196 = tpu.memref_slice %arg2[%dma_start3A_191, %mul3A_10, %dma_start3A_195] : memref<16x1152x128xf32, #tpu.memory_space<hbm>> -> memref<1x48x128xf32, #tpu.memory_space<hbm>>
      %dma_start3A_197 = tpu.memref_squeeze %dma_start3A_196 : memref<1x48x128xf32, #tpu.memory_space<hbm>> -> memref<48x128xf32, #tpu.memory_space<hbm>>
      tpu.enqueue_dma source(%arg3 : memref<48x128xf32, #tpu.memory_space<vmem>>) target(%dma_start3A_197 : memref<48x128xf32, #tpu.memory_space<hbm>>) target_semaphore(%arg4 : memref<!tpu.dma_semaphore, #tpu.memory_space<semaphore_mem>>)
      %dma_start3A_198 = arith.constant 15 : i32
      %dma_start3A_199 = arith.constant 0 : i32
      %dma_start3A_200 = tpu.memref_slice %arg2[%dma_start3A_198, %mul3A_10, %dma_start3A_199] : memref<16x1152x128xf32, #tpu.memory_space<hbm>> -> memref<1x48x128xf32, #tpu.memory_space<hbm>>
      %dma_start3A_201 = tpu.memref_squeeze %dma_start3A_200 : memref<1x48x128xf32, #tpu.memory_space<hbm>> -> memref<48x128xf32, #tpu.memory_space<hbm>>
      %dma_start3A_202 = arith.constant 0 : i32
      %dma_start3A_203 = tpu.memref_slice %arg2[%dma_start3A_198, %mul3A_10, %dma_start3A_202] : memref<16x1152x128xf32, #tpu.memory_space<hbm>> -> memref<1x48x128xf32, #tpu.memory_space<hbm>>
      %dma_start3A_204 = tpu.memref_squeeze %dma_start3A_203 : memref<1x48x128xf32, #tpu.memory_space<hbm>> -> memref<48x128xf32, #tpu.memory_space<hbm>>
      tpu.enqueue_dma source(%arg3 : memref<48x128xf32, #tpu.memory_space<vmem>>) target(%dma_start3A_204 : memref<48x128xf32, #tpu.memory_space<hbm>>) target_semaphore(%arg4 : memref<!tpu.dma_semaphore, #tpu.memory_space<semaphore_mem>>)
      %dma_wait3A_205 = arith.constant 12 : i32
      %dma_wait3A_206 = arith.constant 0 : i32
      %dma_wait3A_207 = tpu.memref_slice %arg2[%dma_wait3A_205, %mul3A_10, %dma_wait3A_206] : memref<16x1152x128xf32, #tpu.memory_space<hbm>> -> memref<1x48x128xf32, #tpu.memory_space<hbm>>
      %dma_wait3A_208 = tpu.memref_squeeze %dma_wait3A_207 : memref<1x48x128xf32, #tpu.memory_space<hbm>> -> memref<48x128xf32, #tpu.memory_space<hbm>>
      %dma_wait3A_209 = arith.constant 0 : i32
      %dma_wait3A_210 = tpu.memref_slice %arg2[%dma_wait3A_205, %mul3A_10, %dma_wait3A_209] : memref<16x1152x128xf32, #tpu.memory_space<hbm>> -> memref<1x48x128xf32, #tpu.memory_space<hbm>>
      %dma_wait3A_211 = tpu.memref_squeeze %dma_wait3A_210 : memref<1x48x128xf32, #tpu.memory_space<hbm>> -> memref<48x128xf32, #tpu.memory_space<hbm>>
      tpu.wait_dma2 semaphore(%arg4 : memref<!tpu.dma_semaphore, #tpu.memory_space<semaphore_mem>>) src(%arg3 : memref<48x128xf32, #tpu.memory_space<vmem>>) dst(%dma_wait3A_211 : memref<48x128xf32, #tpu.memory_space<hbm>>)
      %dma_wait3A_212 = arith.constant 13 : i32
      %dma_wait3A_213 = arith.constant 0 : i32
      %dma_wait3A_214 = tpu.memref_slice %arg2[%dma_wait3A_212, %mul3A_10, %dma_wait3A_213] : memref<16x1152x128xf32, #tpu.memory_space<hbm>> -> memref<1x48x128xf32, #tpu.memory_space<hbm>>
      %dma_wait3A_215 = tpu.memref_squeeze %dma_wait3A_214 : memref<1x48x128xf32, #tpu.memory_space<hbm>> -> memref<48x128xf32, #tpu.memory_space<hbm>>
      %dma_wait3A_216 = arith.constant 0 : i32
      %dma_wait3A_217 = tpu.memref_slice %arg2[%dma_wait3A_212, %mul3A_10, %dma_wait3A_216] : memref<16x1152x128xf32, #tpu.memory_space<hbm>> -> memref<1x48x128xf32, #tpu.memory_space<hbm>>
      %dma_wait3A_218 = tpu.memref_squeeze %dma_wait3A_217 : memref<1x48x128xf32, #tpu.memory_space<hbm>> -> memref<48x128xf32, #tpu.memory_space<hbm>>
      tpu.wait_dma2 semaphore(%arg4 : memref<!tpu.dma_semaphore, #tpu.memory_space<semaphore_mem>>) src(%arg3 : memref<48x128xf32, #tpu.memory_space<vmem>>) dst(%dma_wait3A_218 : memref<48x128xf32, #tpu.memory_space<hbm>>)
      %dma_wait3A_219 = arith.constant 14 : i32
      %dma_wait3A_220 = arith.constant 0 : i32
      %dma_wait3A_221 = tpu.memref_slice %arg2[%dma_wait3A_219, %mul3A_10, %dma_wait3A_220] : memref<16x1152x128xf32, #tpu.memory_space<hbm>> -> memref<1x48x128xf32, #tpu.memory_space<hbm>>
      %dma_wait3A_222 = tpu.memref_squeeze %dma_wait3A_221 : memref<1x48x128xf32, #tpu.memory_space<hbm>> -> memref<48x128xf32, #tpu.memory_space<hbm>>
      %dma_wait3A_223 = arith.constant 0 : i32
      %dma_wait3A_224 = tpu.memref_slice %arg2[%dma_wait3A_219, %mul3A_10, %dma_wait3A_223] : memref<16x1152x128xf32, #tpu.memory_space<hbm>> -> memref<1x48x128xf32, #tpu.memory_space<hbm>>
      %dma_wait3A_225 = tpu.memref_squeeze %dma_wait3A_224 : memref<1x48x128xf32, #tpu.memory_space<hbm>> -> memref<48x128xf32, #tpu.memory_space<hbm>>
      tpu.wait_dma2 semaphore(%arg4 : memref<!tpu.dma_semaphore, #tpu.memory_space<semaphore_mem>>) src(%arg3 : memref<48x128xf32, #tpu.memory_space<vmem>>) dst(%dma_wait3A_225 : memref<48x128xf32, #tpu.memory_space<hbm>>)
      %dma_wait3A_226 = arith.constant 15 : i32
      %dma_wait3A_227 = arith.constant 0 : i32
      %dma_wait3A_228 = tpu.memref_slice %arg2[%dma_wait3A_226, %mul3A_10, %dma_wait3A_227] : memref<16x1152x128xf32, #tpu.memory_space<hbm>> -> memref<1x48x128xf32, #tpu.memory_space<hbm>>
      %dma_wait3A_229 = tpu.memref_squeeze %dma_wait3A_228 : memref<1x48x128xf32, #tpu.memory_space<hbm>> -> memref<48x128xf32, #tpu.memory_space<hbm>>
      %dma_wait3A_230 = arith.constant 0 : i32
      %dma_wait3A_231 = tpu.memref_slice %arg2[%dma_wait3A_226, %mul3A_10, %dma_wait3A_230] : memref<16x1152x128xf32, #tpu.memory_space<hbm>> -> memref<1x48x128xf32, #tpu.memory_space<hbm>>
      %dma_wait3A_232 = tpu.memref_squeeze %dma_wait3A_231 : memref<1x48x128xf32, #tpu.memory_space<hbm>> -> memref<48x128xf32, #tpu.memory_space<hbm>>
      tpu.wait_dma2 semaphore(%arg4 : memref<!tpu.dma_semaphore, #tpu.memory_space<semaphore_mem>>) src(%arg3 : memref<48x128xf32, #tpu.memory_space<vmem>>) dst(%dma_wait3A_232 : memref<48x128xf32, #tpu.memory_space<hbm>>)
    } else {
    }
    return
  }
}

module attributes {stable_mosaic.version = 14 : i64} {
  func.func @_fg_body(%arg0: i32, %arg1: memref<1x9x64x64xf32, #tpu.memory_space<vmem>>, %arg2: memref<16x36x64x64xf32, #tpu.memory_space<any>>, %arg3: memref<1x9x64x64xf32, #tpu.memory_space<vmem>>, %arg4: memref<16x36x64x64xf32, #tpu.memory_space<any>>, %arg5: memref<!tpu.dma_semaphore, #tpu.memory_space<semaphore_mem>>) attributes {dimension_semantics = [#tpu.dimension_semantics<arbitrary>], iteration_bounds = array<i64: 16>, scalar_prefetch = 0 : i64, scratch_operands = 1 : i64, tpu.core_type = #tpu.core_type<tc>, window_params = [{transform_indices = @transform_0, window_bounds = array<i64: 1, 9, 64, 64>}, {}, {transform_indices = @transform_2, window_bounds = array<i64: 1, 9, 64, 64>}, {}]} {
    %eq3A = arith.constant 0 : i32
    %eq3A_0 = arith.cmpi eq, %arg0, %eq3A : i32
    %convert_element_type3A = arith.extui %eq3A_0 : i1 to i32
    %cond3A = arith.constant 0 : i32
    %cond3A_1 = arith.cmpi ne, %convert_element_type3A, %cond3A : i32
    scf.if %cond3A_1 {
      tpu.enqueue_dma source(%arg2 : memref<16x36x64x64xf32, #tpu.memory_space<any>>) target(%arg4 : memref<16x36x64x64xf32, #tpu.memory_space<any>>) target_semaphore(%arg5 : memref<!tpu.dma_semaphore, #tpu.memory_space<semaphore_mem>>)
    } else {
    }
    %get3A = arith.constant 0 : index
    %get3A_2 = arith.constant 0 : index
    %get3A_3 = arith.constant 0 : index
    %get3A_4 = arith.constant 0 : index
    %get3A_5 = vector.load %arg1[%get3A, %get3A_2, %get3A_3, %get3A_4] : memref<1x9x64x64xf32, #tpu.memory_space<vmem>>, vector<1x9x64x64xf32>
    %swap3A = arith.constant 0 : index
    %swap3A_6 = arith.constant 0 : index
    %swap3A_7 = arith.constant 0 : index
    %swap3A_8 = arith.constant 0 : index
    %swap3A_9 = vector.load %arg3[%swap3A, %swap3A_6, %swap3A_7, %swap3A_8] : memref<1x9x64x64xf32, #tpu.memory_space<vmem>>, vector<1x9x64x64xf32>
    tpu.vector_store %arg3[%swap3A, %swap3A_6, %swap3A_7, %swap3A_8], %get3A_5 {strides = array<i32>} : memref<1x9x64x64xf32, #tpu.memory_space<vmem>>, vector<1x9x64x64xf32>,
    %eq3A_10 = arith.constant 15 : i32
    %eq3A_11 = arith.cmpi eq, %arg0, %eq3A_10 : i32
    %convert_element_type3A_12 = arith.extui %eq3A_11 : i1 to i32
    %cond3A_13 = arith.constant 0 : i32
    %cond3A_14 = arith.cmpi ne, %convert_element_type3A_12, %cond3A_13 : i32
    scf.if %cond3A_14 {
      tpu.wait_dma2 semaphore(%arg5 : memref<!tpu.dma_semaphore, #tpu.memory_space<semaphore_mem>>) src(%arg2 : memref<16x36x64x64xf32, #tpu.memory_space<any>>) dst(%arg4 : memref<16x36x64x64xf32, #tpu.memory_space<any>>)
    } else {
    }
    return
  }
  func.func @transform_0(%arg0: i32) -> (i32, i32, i32, i32) {
    %c1_i32 = arith.constant 1 : i32
    %c0_i32 = arith.constant 0 : i32
    %c0_i32_0 = arith.constant 0 : i32
    %c0_i32_1 = arith.constant 0 : i32
    return %arg0, %c1_i32, %c0_i32, %c0_i32_0 : i32, i32, i32, i32
  }
  func.func @transform_2(%arg0: i32) -> (i32, i32, i32, i32) {
    %c0_i32 = arith.constant 0 : i32
    %c0_i32_0 = arith.constant 0 : i32
    %c0_i32_1 = arith.constant 0 : i32
    %c0_i32_2 = arith.constant 0 : i32
    return %arg0, %c0_i32, %c0_i32_0, %c0_i32_1 : i32, i32, i32, i32
  }
}

</mosaic_0001>

<sc_bundles>
// kernel: kernel.4.cloned.1.call-start
scs
__scs_entry_jumppad:
0x0: {  	(pc) =	sbr.rel $0x88, $3  }
0x1: {  	(tag) =	ssettag $0x0;
	lr =	simm.s32 $0x1  }
0x2: {  	[smem:$0x3F9E] =	sst lr;
	_ =	strace $0xD0000000  }
0x3: {  	_ = 	snop  }
0x4: {  	_ = 	snop  }
0x5: {  	_ = 	snop  }
0x6: {  	_ = 	snop  }
0x7: {  	_ = 	snop  }
__scs_overlays_trampoline_lowered:
0x8: {  	[smem:$0x3FAD] =	sst s0  }
0x9: {  	[smem:$0x3FAE] =	sst s1  }
0xa: {  	[smem:$0x3FAF] =	sst s2  }
0xb: {  	[smem:$0x3FB0] =	sst s3  }
0xc: {  	[smem:$0x3FB1] =	sst s4  }
0xd: {  	[smem:$0x3FB2] =	sst s5  }
0xe: {  	[smem:$0x3FB3] =	sst s6  }
0xf: {  	[smem:$0x3FB4] =	sst s7  }
0x10: {  	[smem:$0x3FB5] =	sst s8  }
0x11: {  	[smem:$0x3FB6] =	sst s9;
	s0 =	simm.s32 @!p0 $0x0  }
0x12: {  	s1 =	sld [smem:$0x3F9C];
	s0 =	simm.s32 @p0 $0x1  }
0x13: {  	[smem:$0x3FB7] =	sst s0;
	s0 =	simm.s32 @!p1 $0x0  }
0x14: {  	s2 =	sld [smem:$0x3F9B];
	s0 =	simm.s32 @p1 $0x1  }
0x15: {  	[smem:$0x3FB8] =	sst s0;
	s0 =	simm.s32 @!p2 $0x0  }
0x16: {  	s3 =	sld [smem:$0x3FDB];
	s0 =	simm.s32 @p2 $0x1  }
0x17: {  	s4 =	simm.s32 $0x1BF5;
	[smem:$0x3FBA] =	sst s0  }
0x18: {  	s0 =	sld [smem:$0x3F9D];
	_ =	swait.ge [sflag:s4], $0x0  }
0x19: {  	s7 =	sld [smem:$0x3F9E]  }
0x1a: {  	s8 =	sadd.s32 $0xFFFFE003, lr  }
0x1b: {  	s9 =	sadd.s32 $0xFFFFFEF7, lr;
	s5 =	simm.s32 $0xFFFFFFFF;
	p2 =	slt.u32 s8, $0xFFFFF086  }
0x1c: {  	p1 =	slt.u32 s9, $0xF7A;
	s5 =	simm.s32 @!p2 $0x0  }
0x1d: {  	s5 =	simm.s32 @p1 $0x1;
	p0 =	seq.s32 s7, s2  }
0x1e: {  	s7 =	smul.u32 @!p0 $0xF7A, s2;
	p2 =	seq.s32 @!p0 s5, $0x0  }
0x1f: {  	s9 =	smul.u32 $0xF7A, s1;
	s8 =	simm.s32 @!p0 $0x1BF5;
	p2 =	por !p2, p0  }
0x20: {  	[sflag:s8] =	ssyncset.s32 @!p0 $0xFFFFF086;
	s6 =	sadd.s32 @!p0 s3, s7;
	s7 =	simm.s32 @!p0 $0x108  }
0x21: {  	s3 =	sadd.s32 s3, s9;
	s6 =	sadd.s32 @!p0 $0x88, s6;
	s7 =	simm.s32 @p2 $0x1082  }
0x22: {  	[simem:s7], [sflag:s8] =	dma.local @!p0 [hbm:s6], $0xF7A  }
0x23: {  	s9 =	sor.u32 $0xD0000000, s2;
	s6 =	simm.s32 $0x108;
	_ =	swait.ge @!p0 [sflag:s8], $0x0  }
0x24: {  	s3 =	sadd.s32 $0x88, s3;
	s6 =	simm.s32 @!p1 $0x1082;
	[sflag:s4] =	ssyncset.s32 $0xFFFFF086  }
0x25: {  	[simem:s6], [sflag:s4] =	dma.local [hbm:s3], $0xF7A  }
0x26: {  	[smem:$0x3F9E] =	sst s1;
	(tag) =	ssettag s2;
	_ =	strace s9  }
0x27: {  	s1 =	sld [smem:$0x3FAE]  }
0x28: {  	s2 =	sld [smem:$0x3FAF]  }
0x29: {  	s4 =	sld [smem:$0x3FB1]  }
0x2a: {  	p0 =	seq.s32 s5, $0x0;
	s5 =	sld [smem:$0x3FB2]  }
0x2b: {  	s6 =	sld [smem:$0x3FB3]  }
0x2c: {  	s7 =	sld [smem:$0x3FB4]  }
0x2d: {  	s3 =	simm.s32 $0x108;
	s8 =	sld [smem:$0x3FB5]  }
0x2e: {  	s3 =	simm.s32 @!p0 $0x1082;
	s9 =	sld [smem:$0x3FB6]  }
0x2f: {  	lr =	sadd.s32 s0, s3;
	s0 =	sld [smem:$0x3FAD]  }
0x30: {  	s3 =	sld [smem:$0x3FB0]  }
0x31: {  	[smem:$0x3FB9] =	sst s10  }
0x32: {  	s10 =	sld [smem:$0x3FB7];
	_ =	sdelay $0x3  }
0x33: {  	p0 =	seq.s32 s10, $0x1;
	s10 =	sld [smem:$0x3FB9];
	_ =	sdelay $0x3  }
0x34: {  	[smem:$0x3FB9] =	sst s10  }
0x35: {  	s10 =	sld [smem:$0x3FB8];
	_ =	sdelay $0x3  }
0x36: {  	p1 =	seq.s32 s10, $0x1;
	s10 =	sld [smem:$0x3FB9];
	_ =	sdelay $0x3  }
0x37: {  	[smem:$0x3FB9] =	sst s10  }
0x38: {  	s10 =	sld [smem:$0x3FBA]  }
0x39: {  	_ = 	snop;
	(pc) =	sbr.ind lr, $3  }
0x3a: {  	_ = 	snop  }
0x3b: {  	_ = 	snop  }
0x3c: {  	p2 =	seq.s32 s10, $0x1;
	s10 =	sld [smem:$0x3FB9]  }
0x3d: {  	_ =	shalt  }
0x3e: {  	_ =	shalt  }
0x3f: {  	_ =	shalt  }
0x40: {  	_ =	shalt  }
0x41: {  	_ =	shalt  }
0x42: {  	_ =	shalt  }
0x43: {  	_ =	shalt  }
0x44: {  	_ =	shalt  }
0x45: {  	_ =	shalt  }
0x46: {  	_ =	shalt  }
0x47: {  	_ =	shalt  }
0x48: {  	_ =	shalt  }
0x49: {  	_ =	shalt  }
0x4a: {  	_ =	shalt  }
0x4b: {  	_ =	shalt  }
0x4c: {  	_ =	shalt  }
0x4d: {  	_ =	shalt  }
0x4e: {  	_ =	shalt  }
0x4f: {  	_ =	shalt  }
0x50: {  	_ =	shalt  }
0x51: {  	_ =	shalt  }
0x52: {  	_ =	shalt  }
0x53: {  	_ =	shalt  }
0x54: {  	_ =	shalt  }
0x55: {  	_ =	shalt  }
0x56: {  	_ =	shalt  }
0x57: {  	_ =	shalt  }
0x58: {  	_ =	shalt  }
0x59: {  	_ =	shalt  }
0x5a: {  	_ =	shalt  }
0x5b: {  	_ =	shalt  }
0x5c: {  	_ =	shalt  }
0x5d: {  	_ =	shalt  }
0x5e: {  	_ =	shalt  }
0x5f: {  	_ =	shalt  }
0x60: {  	_ =	shalt  }
0x61: {  	_ =	shalt  }
0x62: {  	_ =	shalt  }
0x63: {  	_ =	shalt  }
0x64: {  	_ =	shalt  }
0x65: {  	_ =	shalt  }
0x66: {  	_ =	shalt  }
0x67: {  	_ =	shalt  }
0x68: {  	_ =	shalt  }
0x69: {  	_ =	shalt  }
0x6a: {  	_ =	shalt  }
0x6b: {  	_ =	shalt  }
0x6c: {  	_ =	shalt  }
0x6d: {  	_ =	shalt  }
0x6e: {  	_ =	shalt  }
0x6f: {  	_ =	shalt  }
0x70: {  	_ =	shalt  }
0x71: {  	_ =	shalt  }
0x72: {  	_ =	shalt  }
0x73: {  	_ =	shalt  }
0x74: {  	_ =	shalt  }
0x75: {  	_ =	shalt  }
0x76: {  	_ =	shalt  }
0x77: {  	_ =	shalt  }
0x78: {  	_ =	shalt  }
0x79: {  	_ =	shalt  }
0x7a: {  	_ =	shalt  }
0x7b: {  	_ =	shalt  }
0x7c: {  	_ =	shalt  }
0x7d: {  	_ =	shalt  }
0x7e: {  	_ =	shalt  }
0x7f: {  	_ =	shalt  }
0x80: {  	_ =	shalt  }
0x81: {  	_ =	shalt  }
0x82: {  	_ =	shalt  }
0x83: {  	_ =	shalt  }
0x84: {  	_ =	shalt  }
0x85: {  	_ =	shalt  }
0x86: {  	_ =	shalt  }
0x87: {  	_ =	shalt  }
.Lfunc_end0:
.L_simem_size_0:
called_computation_lowered:
.L_overlay_start_0:
0x88: {  	s2 =	sld [smem:$0x3FD9]  }
0x89: {  	s3 =	sld [smem:$0x3FFE];
	_ =	sdelay $0x1  }
0x8a: {  	s1 =	srdreg.scid  }
0x8b: {  	s0 =	sand.u32 $0x1, s1  }
0x8c: {  	s15 =	sshll.u32 s0, $0xA;
	s2 =	sadd.s32 s3, s2  }
0x8d: {  	s2 =	sadd.s32 s2, s15  }
0x8e: {  	[smem:$0x3FC5] =	sst s2  }
0x8f: {  	_ = 	snop  }
0x90: {  	s2 =	sld [smem:$0x3FD0];
	_ =	sdelay $0x2  }
0x91: {  	s16 =	simm.s32 $0xA;
	s4 =	simm.s32 $0x10  }
0x92: {  	[smem:s4], [sflag:s16] =	dma.local [hbm:s2], $0x1  }
0x93: {  	_ =	swait.eq [sflag:s16], $0x1  }
0x94: {  	[sflag:s16] =	ssyncset.done $0x0  }
0x95: {  	[sflag:s16] =	ssyncadd.s32 $0xFFFFFFFF  }
0x96: {  	s17 =	sld [smem:$0x13];
	(tm) =	ssettm $0x1  }
0x97: {  	s18 =	sld [smem:$0x3FFB];
	_ =	sdelay $0x3  }
0x98: {  	_ =	strace s18  }
0x99: {  	s3 =	sld [smem:$0x3FFC];
	_ =	sdelay $0x3  }
0x9a: {  	_ =	strace s3  }
0x9b: {  	s3 =	sld [smem:$0x3FFD];
	_ =	sdelay $0x3  }
0x9c: {  	_ =	strace s3  }
0x9d: {  	_ =	strace $0x8FFFFFFF  }
0x9e: {  	s19 =	sld [smem:$0x3FDB];
	_ =	sdelay $0x1  }
0x9f: {  	s20 =	simm.s32 $_scs_section_size  }
0xa0: {  	s5 =	simm.s32 $_size__tile_overlayer_lowered;
	s6 =	simm.s32 $_tile_overlayer_lowered  }
0xa1: {  	s23 =	simm.s32 $0x1BFF;
	s22 =	sshll.u32 s6, $0x1;
	s3 =	sadd.s32 s20, s19  }
0xa2: {  	s7 =	simm.s32 $0x0;
	s21 =	sshll.u32 s5, $0x1;
	s5 =	sadd.s32 s22, s3  }
0xa3: {  	[timem:s7], [sflag:s23] =	dma.local [hbm:s5], s21  }
0xa4: {  	_ =	swait.ge [sflag:s23], s21  }
0xa5: {  	s4 =	ssub.s32 $0x0, s21;
	[sflag:s23] =	ssyncset.done $0x0  }
0xa6: {  	[sflag:s23] =	ssyncadd.s32 s4;
	_ =	sdelay $0x1  }
0xa7: {  	s24 =	simm.s32 $0x1B8B  }
0xa8: {  	_ =	swait.ge [sflag:s24], $0x1  }
0xa9: {  	[sflag:s24] =	ssyncset.done $0x0  }
0xaa: {  	s25 =	simm.s32 $0x1B8E;
	[sflag:s24] =	ssyncadd.s32 $0xFFFFFFFF  }
0xab: {  	s26 =	simm.s32 $execute0_lowered;
	[smem:$0x3FD2] =	sst s25  }
0xac: {  	s4 =	sshll.u32 s26, $0x1;
	_ =	strace $0x80000046;
	[dreg:$0x1] =	wrdreg $0xFFFFFFFF  }
0xad: {  	s28 =	simm.s32 $_size_execute0_lowered;
	s3 =	sadd.s32 s3, s4;
	[dreg:$0x0] =	wrdreg $0x0  }
0xae: {  	s4 =	sshll.u32 s28, $0x1;
	[dreg:$0x2] =	wrdreg s3  }
0xaf: {  	[dreg:$0x3] =	wrdreg s4  }
0xb0: {  	[dreg:$0x4] =	wrdreg $0xC0  }
0xb1: {  	_ =	task [dreg:s7], $0x5FFFF  }
0xb2: {  	[dreg:$0x1] =	wrdreg $0xFFFFFFFF  }
0xb3: {  	[dreg:$0x0] =	wrdreg $0x60  }
0xb4: {  	[dreg:$0x2] =	wrdreg s17  }
0xb5: {  	[dreg:$0x3] =	wrdreg $0x9  }
0xb6: {  	_ =	task.clear_ibuf [dreg:s7], $0x4FFFF;
	_ =	strace $0x90000046  }
0xb7: {  	s29 =	simm.s32 $0x9;
	_ =	strace $0x80000048  }
0xb8: {  	_ =	swait.ge [sflag:s29], $0x1  }
0xb9: {  	[sflag:s29] =	ssyncadd.s32 $0xFFFFFFFF  }
0xba: {  	_ =	strace $0x90000048  }
0xbb: {  	_ =	sfence  }
0xbc: {  	s30 =	sld [smem:$0x0];
	_ =	sdelay $0x2  }
0xbd: {  	s31 =	sshll.u32 s1, $0xD;
	s1 =	sshrl.u32 s1, $0x2  }
0xbe: {  	s3 =	sand.u32 $0x4000, s31;
	s1 =	sadd.s32 s1, s30  }
0xbf: {  	s0 =	sor.u32 s3, s0;
	s1 =	sshll.u32 s1, $0x11  }
0xc0: {  	s0 =	sor.u32 s1, s0  }
0xc1: {  	s0 =	sadd.s32 $0x8F2B, s0  }
0xc2: {  	[sflag:s0] =	ssyncadd.remote.s32 $0x1  }
0xc3: {  	_ =	sfence.sel $0xFFFF  }
0xc4: {  	[dreg:$0x0] =	wrdreg $0xFFFFFFFF;
	(pc) =	sbr.abs _section_cstart, $3  }
0xc5: {  	[dreg:$0x1] =	wrdreg $0xFFFFFFFF  }
0xc6: {  	_ =	task.clear_ibuf [dreg:s7], $0x2FFFF;
	_ =	strace $0x9FFFFFFF  }
0xc7: {  	(tm) =	ssettm $0x7FFFFFFF  }
tec
execute0_lowered:
.L_overlay_start_1:
0x0: {  	(tag) =	ssettag $0x1  }
0x1: {  	s1 =	stileid.u32  }
0x2: {  	p0 =	sgt.u32 s1, $0xB  }
.Ltmp0:
0x3: {  	_ = 	snop;
	(pc) =	sbr.rel @p0 .LBB2_5-.Ltmp0, $4  }
0x4: {  	_ = 	snop  }
0x5: {  	s3 =	rddreg [dreg:$0x0];
	s2 =	simm.s32 $0x0  }
0x6: {  	[smem:$0x7FF] =	sst s2  }
0x7: {  	s0 =	rddreg [dreg:$0x1];
	_ =	strace $0x80000047  }
0x8: {  	s4 =	srdreg.scid  }
0x9: {  	s31 =	sshll.u32 s1, $0x1;
	s20 =	smul.u32 $0x3000, s1;
	s17 =	sand.u32 $0x1, s4  }
0xa: {  	s4 =	sor.u32 s17, s31;
	s21 =	smul.u32 $0x1800, s17  }
0xb: {  	s16 =	ssub.s32 $0x2, s17;
	s4 =	smul.u32 $0x1800, s4  }
0xc: {  	s22 =	simm.s32 $0x0;
	s18 =	sshrl.u32 s16, $0x1  }
0xd: {  	s19 =	ssub.s32 s16, s18;
	s20 =	sadd.s32 s21, s20;
	s4 =	sshrl.u32 s4, $0x3  }
0xe: {  	s21 =	simm.s32 $0x1;
	s19 =	smax.u32 s19, $0x1;
	s3 =	sadd.s32 s3, s4  }
0xf: {  	s4 =	sadd.s32 $0x12000, s3;
	s5 =	sadd.s32 $0x16800, s3;
	s6 =	sadd.s32 $0x1B000, s3  }
0x10: {  	s7 =	sadd.s32 $0x1F800, s3;
	s8 =	sadd.s32 $0x24000, s3;
	s9 =	sadd.s32 $0x28800, s3  }
0x11: {  	s10 =	sadd.s32 $0x2D000, s3;
	s11 =	sadd.s32 $0x31800, s3;
	s12 =	sadd.s32 $0x36000, s3  }
0x12: {  	v0 =	vlaneseq.u32;
	s13 =	sadd.s32 $0x3A800, s3;
	s14 =	sadd.s32 $0x3F000, s3;
	s15 =	sadd.s32 $0x43800, s3  }
0x13: {  	v1 =	vimm.f32 $1.100000000e+01;
	v2 =	vimm.f32 $2.200000000e+01;
	v3 =	vimm.f32 $3.200000000e+01;
	s16 =	sadd.s32 $0xD800, s3;
	s17 =	sadd.s32 $0x9000, s3;
	s18 =	sadd.s32 $0x4800, s3  }
.LBB2_2:
0x14: {  	s23 =	sadd.s32 $0x0, s20  }
0x15: {  	v6 =	vmov s23  }
0x16: {  	v4 =	vor.u32 s23, v0;
	v5 =	vshrl.u32 v6, $0x2  }
0x17: {  	v4 =	vand.u32 $0x7F, v4;
	v5 =	vand.u32 $0x1FFFFF80, v5  }
0x18: {  	v4 =	vor.u32 v4, v5  }
0x19: {  	v5 =	vmulhi.u32 $0x38E38E39, v4;
	_ =	sdelay $0x1  }
0x1a: {  	v5 =	vshrl.u32 v5, $0x1  }
0x1b: {  	v7 =	vmul.u32 $0xFFFFFFF7, v5;
	_ =	sdelay $0x1  }
0x1c: {  	v11 =	vadd.s32 v4, v7  }
0x1d: {  	v10 =	vand.u32 $0xFF, v11  }
0x1e: {  	s31 =	sadd.s32 $0x10, s20;
	v8 =	vmulhi.u32 $0x55555556, v10  }
0x1f: {  	v9 =	vor.u32 s31, v0;
	v4 =	vmov s31  }
0x20: {  	v7 =	vand.u32 $0x80, v6;
	v14 =	vadd.s32 $0xFFFFFFFD, v11;
	v12 =	vmul.u32 $0x3, v8  }
0x21: {  	v6 =	vshrl.u32 v6, $0x7;
	v13 =	vshrl.u32 v4, $0x2;
	vm1 =	vlt.u32 v14, $0x3  }
0x22: {  	vm0 =	vlt.u32 v11, $0x3;
	v11 =	vsel vm1, $0x41800000, v1;
	v10 =	vsub.s32 v10, v12  }
0x23: {  	s24 =	simm.s32 $0x0;
	s25 =	simm.s32 $0x20;
	s23 =	simm.s32 $0x10;
	v8 =	vand.u32 $0x7F, v9;
	v9 =	vand.u32 $0x1FFFFF80, v13;
	vm2 =	veq.s32 v10, $0x1  }
.LBB2_3:
0x24: {  	p0 =	sne.s32 s25, $0x17F0;
	v12 =	vsel vm1, $0x41800000, v2;
	vm1 =	veq.s32 v10, $0x0;
	v10 =	vsel vm2, $0x41800000, v3  }
0x25: {  	v11 =	vsel vm0, $0x41B80000, v11;
	v12 =	vsel vm0, $0x41400000, v12;
	v10 =	vsel vm1, $0x41000000, v10  }
0x26: {  	v8 =	vor.u32 v8, v9;
	v9 =	vmul.f32 v10, v11;
	v10 =	vmul.f32 v10, v12  }
0x27: {  	v6 =	vand.u32 $0x3, v6;
	vm0 =	veq.s32 v7, $0x0;
	v11 =	vmulhi.u32 $0x38E38E39, v8  }
0x28: {  	vm1 =	veq.s32 v6, $0x0;
	v7 =	vadd.f32 $-1.000000000e+00, v9;
	v9 =	vadd.f32 $-1.000000000e+00, v10  }
0x29: {  	vm2 =	veq.s32 v6, $0x1;
	v10 =	vshrl.u32 v11, $0x1;
	v11 =	vand.u32 $0x3F, v5  }
0x2a: {  	v12 =	vshrl.u32 v5, $0x6;
	v5 =	vmovc v10;
	v7 =	vmul.f32 $5.000000000e-01, v7;
	v9 =	vmul.f32 $5.000000000e-01, v9  }
0x2b: {  	vm3 =	veq.s32 v6, $0x2;
	v6 =	vsel vm0, v11, v12;
	v10 =	vmul.u32 $0xFFFFFFF7, v5  }
0x2c: {  	v6 =	vcvt.s32.f32 v6;
	v11 =	vsel vm3, v7, v9;
	v9 =	vxor.u32 $0x80000000, v9  }
0x2d: {  	v12 =	vadd.s32 v8, v10;
	v7 =	vxor.u32 $0x80000000, v7;
	v8 =	vsel vm2, v9, v11  }
0x2e: {  	v10 =	vand.u32 $0xFF, v12;
	v7 =	vsel vm1, v7, v8  }
0x2f: {  	s26 =	sadd.s32 s25, s20;
	v11 =	vmul.f32 $1.600000000e+01, v6;
	v8 =	vmulhi.u32 $0x55555556, v10;
	v9 =	vadd.f32 $7.500000000e+00, v7  }
.Ltmp1:
0x30: {  	v13 =	vmov s26;
	v14 =	vor.u32 s26, v0;
	v7 =	vand.u32 $0x80, v4;
	(pc) =	sbr.rel @p0 .LBB2_3-.Ltmp1, $4  }
0x31: {  	v6 =	vshrl.u32 v4, $0x7;
	v4 =	vmovc v13;
	v15 =	vmul.u32 $0x3, v8;
	v11 =	vadd.f32 v9, v11  }
0x32: {  	s26 =	sand.u32 $0x1FF0, s24;
	s24 =	smov.u32 s23;
	s23 =	smov.u32 s25;
	v13 =	vadd.s32 $0xFFFFFFFD, v12;
	v8 =	vand.u32 $0x7F, v14;
	v9 =	vshrl.u32 v4, $0x2  }
0x33: {  	vm1 =	vlt.u32 v13, $0x3;
	v9 =	vand.u32 $0x1FFFFF80, v9;
	v10 =	vsub.s32 v10, v15;
	[tilespmem:s26+$0x0] =	vst v11  }
0x34: {  	s25 =	sadd.s32 $0x10, s25;
	vm0 =	vlt.u32 v12, $0x3;
	v11 =	vsel vm1, $0x41800000, v1;
	vm2 =	veq.s32 v10, $0x1  }
0x35: {  	v8 =	vor.u32 v8, v9  }
0x36: {  	v12 =	vsel vm1, $0x41800000, v2;
	v9 =	vmulhi.u32 $0x38E38E39, v8  }
0x37: {  	vm4 =	veq.s32 v10, $0x0;
	v51 =	vsel vm2, $0x41800000, v3;
	v11 =	vsel vm0, $0x41B80000, v11  }
0x38: {  	vm5 =	veq.s32 v7, $0x0;
	v53 =	vand.u32 $0x3F, v5;
	v9 =	vshrl.u32 v9, $0x1  }
0x39: {  	v5 =	vshrl.u32 v5, $0x6;
	v6 =	vand.u32 $0x3, v6;
	v13 =	vmul.u32 $0xFFFFFFF7, v9  }
0x3a: {  	v61 =	vand.u32 $0x80, v4;
	v4 =	vshrl.u32 v4, $0x7;
	v10 =	vsel vm4, $0x41000000, v51  }
0x3b: {  	v12 =	vsel vm0, $0x41400000, v12;
	v5 =	vsel vm5, v53, v5;
	v52 =	vadd.s32 v8, v13  }
0x3c: {  	vm6 =	veq.s32 v6, $0x0;
	vm7 =	veq.s32 v6, $0x1;
	v54 =	vand.u32 $0xFF, v52  }
0x3d: {  	vm8 =	veq.s32 v6, $0x2;
	v4 =	vand.u32 $0x3, v4;
	v55 =	vmulhi.u32 $0x55555556, v54  }
0x3e: {  	vm12 =	veq.s32 v61, $0x0;
	v11 =	vmul.f32 v10, v11;
	v10 =	vmul.f32 v10, v12  }
0x3f: {  	v5 =	vcvt.s32.f32 v5;
	vm13 =	veq.s32 v4, $0x0;
	v8 =	vmul.u32 $0x3, v55  }
0x40: {  	vm14 =	veq.s32 v4, $0x1;
	v11 =	vadd.f32 $-1.000000000e+00, v11;
	v56 =	vadd.s32 $0xFFFFFFFD, v52  }
0x41: {  	v62 =	vand.u32 $0x3F, v9;
	vm3 =	vlt.u32 v56, $0x3;
	v8 =	vsub.s32 v54, v8  }
0x42: {  	vm9 =	vlt.u32 v52, $0x3;
	v6 =	vsel vm3, $0x41800000, v1;
	vm10 =	veq.s32 v8, $0x1  }
0x43: {  	v57 =	vsel vm3, $0x41800000, v2;
	vm11 =	veq.s32 v8, $0x0;
	v59 =	vsel vm10, $0x41800000, v3  }
0x44: {  	v6 =	vsel vm9, $0x41B80000, v6;
	v7 =	vsel vm9, $0x41400000, v57;
	v8 =	vsel vm11, $0x41000000, v59  }
0x45: {  	v9 =	vshrl.u32 v9, $0x6;
	v6 =	vmul.f32 v8, v6;
	v7 =	vmul.f32 v8, v7  }
0x46: {  	vm15 =	veq.s32 v4, $0x2;
	v10 =	vadd.f32 $-1.000000000e+00, v10;
	v4 =	vsel vm12, v62, v9  }
0x47: {  	v11 =	vmul.f32 $5.000000000e-01, v11;
	v6 =	vadd.f32 $-1.000000000e+00, v6;
	v7 =	vadd.f32 $-1.000000000e+00, v7  }
0x48: {  	v10 =	vmul.f32 $5.000000000e-01, v10;
	v4 =	vcvt.s32.f32 v4  }
0x49: {  	v6 =	vmul.f32 $5.000000000e-01, v6;
	v7 =	vmul.f32 $5.000000000e-01, v7  }
0x4a: {  	v58 =	vsel vm8, v11, v10;
	v10 =	vxor.u32 $0x80000000, v10;
	v60 =	vxor.u32 $0x80000000, v11  }
0x4b: {  	v10 =	vsel vm7, v10, v58;
	v63 =	vsel vm15, v6, v7;
	v7 =	vxor.u32 $0x80000000, v7  }
0x4c: {  	v8 =	vsel vm6, v60, v10;
	v6 =	vxor.u32 $0x80000000, v6;
	v7 =	vsel vm14, v7, v63  }
0x4d: {  	v5 =	vmul.f32 $1.600000000e+01, v5;
	v8 =	vadd.f32 $7.500000000e+00, v8;
	v6 =	vsel vm13, v6, v7  }
0x4e: {  	v4 =	vmul.f32 $1.600000000e+01, v4;
	v6 =	vadd.f32 $7.500000000e+00, v6  }
0x4f: {  	v5 =	vadd.f32 v8, v5  }
0x50: {  	s24 =	sand.u32 $0x1FF0, s24;
	v4 =	vadd.f32 v6, v4  }
0x51: {  	s23 =	sand.u32 $0x1FF0, s23;
	[tilespmem:s24+$0x0] =	vst v5  }
0x52: {  	[tilespmem:s23+$0x0] =	vst v4  }
0x53: {  	[hbm4b:s3+s2] =	stream.linear.scatter [tilespmem:s2], [sflag:$0x1], $0x1800, $0x38;
	[tilespmem:$0x1800] =	vst v63  }
0x54: {  	_ = 	snop  }
0x55: {  	[hbm4b:s18+s2] =	stream.linear.scatter [tilespmem:s2], [sflag:$0x1], $0x1800, $0x38;
	[tilespmem:$0x1800] =	vst v63  }
0x56: {  	_ = 	snop  }
0x57: {  	[hbm4b:s17+s2] =	stream.linear.scatter [tilespmem:s2], [sflag:$0x1], $0x1800, $0x38;
	[tilespmem:$0x1800] =	vst v63  }
0x58: {  	_ = 	snop  }
0x59: {  	[hbm4b:s16+s2] =	stream.linear.scatter [tilespmem:s2], [sflag:$0x1], $0x1800, $0x38;
	[tilespmem:$0x1800] =	vst v63  }
0x5a: {  	_ =	swait.ge [sflag:s21], $0x1800  }
0x5b: {  	[sflag:s21] =	ssyncset.done $0x0  }
0x5c: {  	[sflag:s21] =	ssyncadd.s32 $0xFFFFE800  }
0x5d: {  	_ =	swait.ge [sflag:s21], $0x1800  }
0x5e: {  	[sflag:s21] =	ssyncset.done $0x0  }
0x5f: {  	[sflag:s21] =	ssyncadd.s32 $0xFFFFE800  }
0x60: {  	_ =	swait.ge [sflag:s21], $0x1800  }
0x61: {  	[sflag:s21] =	ssyncset.done $0x0  }
0x62: {  	[sflag:s21] =	ssyncadd.s32 $0xFFFFE800  }
0x63: {  	_ =	swait.ge [sflag:s21], $0x1800  }
0x64: {  	[sflag:s21] =	ssyncset.done $0x0  }
0x65: {  	[sflag:s21] =	ssyncadd.s32 $0xFFFFE800  }
0x66: {  	[hbm4b:s4+s2] =	stream.linear.scatter [tilespmem:s2], [sflag:$0x1], $0x1800, $0x38;
	[tilespmem:$0x1800] =	vst v63  }
0x67: {  	_ = 	snop  }
0x68: {  	[hbm4b:s5+s2] =	stream.linear.scatter [tilespmem:s2], [sflag:$0x1], $0x1800, $0x38;
	[tilespmem:$0x1800] =	vst v63  }
0x69: {  	_ = 	snop  }
0x6a: {  	[hbm4b:s6+s2] =	stream.linear.scatter [tilespmem:s2], [sflag:$0x1], $0x1800, $0x38;
	[tilespmem:$0x1800] =	vst v63  }
0x6b: {  	_ = 	snop  }
0x6c: {  	[hbm4b:s7+s2] =	stream.linear.scatter [tilespmem:s2], [sflag:$0x1], $0x1800, $0x38;
	[tilespmem:$0x1800] =	vst v63  }
0x6d: {  	_ =	swait.ge [sflag:s21], $0x1800  }
0x6e: {  	[sflag:s21] =	ssyncset.done $0x0  }
0x6f: {  	[sflag:s21] =	ssyncadd.s32 $0xFFFFE800  }
0x70: {  	_ =	swait.ge [sflag:s21], $0x1800  }
0x71: {  	[sflag:s21] =	ssyncset.done $0x0  }
0x72: {  	[sflag:s21] =	ssyncadd.s32 $0xFFFFE800  }
0x73: {  	_ =	swait.ge [sflag:s21], $0x1800  }
0x74: {  	[sflag:s21] =	ssyncset.done $0x0  }
0x75: {  	[sflag:s21] =	ssyncadd.s32 $0xFFFFE800  }
0x76: {  	_ =	swait.ge [sflag:s21], $0x1800  }
0x77: {  	[sflag:s21] =	ssyncset.done $0x0  }
0x78: {  	[sflag:s21] =	ssyncadd.s32 $0xFFFFE800  }
0x79: {  	[hbm4b:s8+s2] =	stream.linear.scatter [tilespmem:s2], [sflag:$0x1], $0x1800, $0x38;
	[tilespmem:$0x1800] =	vst v63  }
0x7a: {  	_ = 	snop  }
0x7b: {  	[hbm4b:s9+s2] =	stream.linear.scatter [tilespmem:s2], [sflag:$0x1], $0x1800, $0x38;
	[tilespmem:$0x1800] =	vst v63  }
0x7c: {  	_ = 	snop  }
0x7d: {  	[hbm4b:s10+s2] =	stream.linear.scatter [tilespmem:s2], [sflag:$0x1], $0x1800, $0x38;
	[tilespmem:$0x1800] =	vst v63  }
0x7e: {  	_ = 	snop  }
0x7f: {  	[hbm4b:s11+s2] =	stream.linear.scatter [tilespmem:s2], [sflag:$0x1], $0x1800, $0x38;
	[tilespmem:$0x1800] =	vst v63  }
0x80: {  	_ =	swait.ge [sflag:s21], $0x1800  }
0x81: {  	[sflag:s21] =	ssyncset.done $0x0  }
0x82: {  	[sflag:s21] =	ssyncadd.s32 $0xFFFFE800  }
0x83: {  	_ =	swait.ge [sflag:s21], $0x1800  }
0x84: {  	[sflag:s21] =	ssyncset.done $0x0  }
0x85: {  	[sflag:s21] =	ssyncadd.s32 $0xFFFFE800  }
0x86: {  	_ =	swait.ge [sflag:s21], $0x1800  }
0x87: {  	[sflag:s21] =	ssyncset.done $0x0  }
0x88: {  	[sflag:s21] =	ssyncadd.s32 $0xFFFFE800  }
0x89: {  	_ =	swait.ge [sflag:s21], $0x1800  }
0x8a: {  	[sflag:s21] =	ssyncset.done $0x0  }
0x8b: {  	[sflag:s21] =	ssyncadd.s32 $0xFFFFE800  }
0x8c: {  	[hbm4b:s12+s2] =	stream.linear.scatter [tilespmem:s2], [sflag:$0x1], $0x1800, $0x38;
	[tilespmem:$0x1800] =	vst v63  }
0x8d: {  	_ = 	snop  }
0x8e: {  	[hbm4b:s13+s2] =	stream.linear.scatter [tilespmem:s2], [sflag:$0x1], $0x1800, $0x38;
	[tilespmem:$0x1800] =	vst v63  }
0x8f: {  	_ = 	snop  }
0x90: {  	[hbm4b:s14+s2] =	stream.linear.scatter [tilespmem:s2], [sflag:$0x1], $0x1800, $0x38;
	[tilespmem:$0x1800] =	vst v63  }
0x91: {  	_ = 	snop  }
0x92: {  	[hbm4b:s15+s2] =	stream.linear.scatter [tilespmem:s2], [sflag:$0x1], $0x1800, $0x38;
	[tilespmem:$0x1800] =	vst v63  }
0x93: {  	_ =	swait.ge [sflag:s21], $0x1800  }
0x94: {  	[sflag:s21] =	ssyncset.done $0x0  }
0x95: {  	[sflag:s21] =	ssyncadd.s32 $0xFFFFE800  }
0x96: {  	_ =	swait.ge [sflag:s21], $0x1800  }
0x97: {  	[sflag:s21] =	ssyncset.done $0x0  }
0x98: {  	s22 =	sadd.s32 $0x1, s22;
	[sflag:s21] =	ssyncadd.s32 $0xFFFFE800  }
0x99: {  	p0 =	sne.s32 s22, s19;
	_ =	swait.ge [sflag:s21], $0x1800  }
.Ltmp2:
0x9a: {  	[sflag:s21] =	ssyncset.done $0x0;
	(pc) =	sbr.rel @p0 .LBB2_2-.Ltmp2, $4  }
0x9b: {  	[sflag:s21] =	ssyncadd.s32 $0xFFFFE800  }
0x9c: {  	_ =	swait.ge [sflag:s21], $0x1800  }
0x9d: {  	[sflag:s21] =	ssyncset.done $0x0  }
0x9e: {  	[sflag:s21] =	ssyncadd.s32 $0xFFFFE800  }
.LBB2_5:
0x9f: {  	_ =	sfence.sel $0x180000  }
0xa0: {  	[bflag:$0x0] =	sbarrier.arrive $0xFFFF  }
0xa1: {  	p0 =	sne.s32 s1, $0x0;
	_ =	strace $0x90000047  }
0xa2: {  	s0 =	sadd.s32 @!p0 $0x100000, s0;
	[bflag:$0x2] =	sbarrier.arrive $0xFFFF  }
0xa3: {  	[sflag:s0] =	ssyncadd.tile.s32 @!p0 $0x1;
	_ =	shalt  }
.Lfunc_end2:
_tile_overlayer_lowered:
.L_overlay_start_2:
0xa4: {  	(tag) =	ssettag $0x2  }
0xa5: {  	s0 =	rddreg [dreg:$0x0];
	s2 =	stileid.u32  }
0xa6: {  	s1 =	rddreg [dreg:$0x1];
	p0 =	sne.s32 s2, $0x0  }
0xa7: {  	s3 =	rddreg [dreg:$0x2];
	[bflag:$0x3] =	sbarrier.arrive $0xFFFF;
	s2 =	simm.s32 @!p0 $0x1C02  }
0xa8: {  	[timem:s3], [sflag:s2] =	dma.local @!p0 [hbm:s0], s1  }
0xa9: {  	s0 =	simm.s32 @!p0 $0x2  }
0xaa: {  	_ =	swait.ge @!p0 [sflag:s0], s1  }
0xab: {  	s1 =	ssub.s32 @!p0 $0x0, s1;
	[sflag:s0] =	ssyncset.done @!p0 $0x0  }
0xac: {  	[sflag:s0] =	ssyncadd.s32 @!p0 s1  }
0xad: {  	[bflag:$0x3] =	sbarrier.arrive $0xFFFF  }
0xae: {  	_ =	shalt  }

</sc_bundles>
